<compile_context>
chip_gen: v7x
topology: tpu7x:2x2x1
jax: 0.10.2.dev20260603
libtpu: 0.0.44.dev20260713+nightly
codegen_flags: <defaults>
</compile_context>

<pallas_src>
import functools

import jax
import jax.numpy as jnp
from jax import lax
from jax.experimental import pallas as pl
from jax.experimental.pallas import tpu as pltpu
from jax.experimental.pallas import tpu_sc as plsc

N = 10000
E = 320000
D = 128

NC = 2
NS = 16
NW = NC * NS
EPW = E // NW
K = 125
CH = EPW // K
NPAD = 10240
RPT = NPAD // NS


def _sc_agg_body(with_deg, *refs):
    if with_deg:
        (x_hbm, src_hbm, dst_hbm, p_hbm, dg_hbm,
         src_v, dst_v, rows_v, ones_v, zdeg_v, agg_sp, deg_sp) = refs
    else:
        (x_hbm, src_hbm, dst_hbm, p_hbm,
         src_v, dst_v, rows_v, agg_sp) = refs

    c = lax.axis_index("c")
    s = lax.axis_index("s")
    wid = c * NS + s
    base_r = s * RPT

    def zrow(i, carry):
        rows_v[i // 8, pl.ds((i % 8) * 16, 16)] = jnp.zeros((16,), jnp.float32)
        return carry
    lax.fori_loop(0, K * 8, zrow, 0)
    if with_deg:
        def fill16(i, carry):
            ones_v[pl.ds(i * 16, 16)] = jnp.ones((16,), jnp.float32)
            return carry
        lax.fori_loop(0, 8, fill16, 0)
        def zdeg16(i, carry):
            zdeg_v[pl.ds(i * 16, 16)] = jnp.zeros((16,), jnp.float32)
            return carry
        lax.fori_loop(0, RPT // 16, zdeg16, 0)

    nfull = RPT // K
    rem = RPT - nfull * K
    for q in range(nfull):
        pltpu.sync_copy(rows_v, agg_sp.at[pl.ds(base_r + q * K, K)])
    pltpu.sync_copy(rows_v.at[pl.ds(0, rem)],
                    agg_sp.at[pl.ds(base_r + nfull * K, rem)])
    if with_deg:
        pltpu.sync_copy(zdeg_v, deg_sp.at[pl.ds(base_r, RPT)])
    plsc.subcore_barrier()

    pltpu.sync_copy(src_hbm.at[wid], src_v)
    pltpu.sync_copy(dst_hbm.at[wid], dst_v)

    def step(j, carry):
        pltpu.sync_copy(x_hbm.at[src_v.at[j]], rows_v)
        pltpu.sync_copy(rows_v, agg_sp.at[dst_v.at[j]], add=True)
        if with_deg:
            pltpu.sync_copy(ones_v.at[pl.ds(0, K)],
                            deg_sp.at[dst_v.at[j]], add=True)
        return carry
    lax.fori_loop(0, CH, step, 0)

    plsc.subcore_barrier()
    pltpu.sync_copy(agg_sp.at[pl.ds(base_r, RPT)],
                    p_hbm.at[c, pl.ds(base_r, RPT)])
    if with_deg:
        pltpu.sync_copy(deg_sp.at[pl.ds(base_r, RPT)],
                        dg_hbm.at[c, pl.ds(base_r, RPT)])


def _make_sc_agg(with_deg):
    mesh = plsc.VectorSubcoreMesh(core_axis_name="c", subcore_axis_name="s",
                                  num_cores=NC, num_subcores=NS)
    out_type = [jax.ShapeDtypeStruct((NC, NPAD, D), jnp.float32)]
    scratch = [
        pltpu.VMEM((CH, K), jnp.int32),
        pltpu.VMEM((CH, K), jnp.int32),
        pltpu.VMEM((K, D), jnp.float32),
    ]
    if with_deg:
        out_type.append(jax.ShapeDtypeStruct((NC, NPAD), jnp.float32))
        scratch += [
            pltpu.VMEM((128,), jnp.float32),
            pltpu.VMEM((RPT,), jnp.float32),
        ]
    scratch.append(pltpu.VMEM_SHARED((NPAD, D), jnp.float32))
    if with_deg:
        scratch.append(pltpu.VMEM_SHARED((NPAD,), jnp.float32))
    return pl.kernel(
        functools.partial(_sc_agg_body, with_deg),
        out_type=tuple(out_type),
        mesh=mesh,
        scratch_types=scratch,
    )


def _dense_body(relu, x_ref, p_ref, d_ref, ws_ref, wn_ref, b_ref, o_ref):
    deg = jnp.maximum(d_ref[0] + d_ref[1], 1.0)
    agg = (p_ref[0] + p_ref[1]) / deg
    out = jnp.dot(x_ref[...], ws_ref[...], preferred_element_type=jnp.float32)
    out = out + jnp.dot(agg, wn_ref[...], preferred_element_type=jnp.float32)
    out = out + b_ref[...]
    nrm = jnp.sqrt(jnp.sum(out * out, axis=-1, keepdims=True))
    out = out / (nrm + 1e-8)
    if relu:
        out = jnp.maximum(out, 0.0)
    o_ref[...] = out


def _dense(x, p, d, w_self, w_neigh, b, relu):
    B = 2000
    return pl.pallas_call(
        functools.partial(_dense_body, relu),
        grid=(N // B,),
        in_specs=[
            pl.BlockSpec((B, D), lambda i: (i, 0)),
            pl.BlockSpec((NC, B, D), lambda i: (0, i, 0)),
            pl.BlockSpec((NC, B, 1), lambda i: (0, i, 0)),
            pl.BlockSpec((D, D), lambda i: (0, 0)),
            pl.BlockSpec((D, D), lambda i: (0, 0)),
            pl.BlockSpec((1, D), lambda i: (0, 0)),
        ],
        out_specs=pl.BlockSpec((B, D), lambda i: (i, 0)),
        out_shape=jax.ShapeDtypeStruct((N, D), jnp.float32),
    )(x, p, d, w_self, w_neigh, b.reshape(1, D))


def kernel(x, edge_index, W1_self, W1_neigh, b1, W2_self, W2_neigh, b2):
    src = edge_index[0].reshape(NW, CH, K)
    dst = edge_index[1].reshape(NW, CH, K)
    p1, dg = _make_sc_agg(True)(x, src, dst)
    dg = dg.reshape(NC, NPAD, 1)
    h = _dense(x, p1, dg, W1_self, W1_neigh, b1, relu=True)
    (p2,) = _make_sc_agg(False)(h, src, dst)
    out = _dense(h, p2, dg, W2_self, W2_neigh, b2, relu=False)
    return out

# --- scband reference (transcript-rebuilt; emitter-appended) ---
"""Pipeline reference for scband-projective-graph-sage-16990890623334 (READ-ONLY COPY).

The authoritative reference and input builder live on the scoring server;
editing this copy changes nothing except your own understanding.
"""

import jax, jax.numpy as jnp
import numpy as np

N = 10000
E = 320000
D_IN = 128
D_H = 128
D_OUT = 128


def setup_inputs(seed: int = 0) -> dict:
    key = jax.random.key(seed)
    ks = jax.random.split(key, 9)
    x = jax.random.normal(ks[0], (N, D_IN), dtype=jnp.float32)
    edge_index = jax.random.randint(ks[1], (2, E), 0, N, dtype=jnp.int32)
    W1_self = jax.random.normal(ks[2], (D_IN, D_H), dtype=jnp.float32) * 0.05
    W1_neigh = jax.random.normal(ks[3], (D_IN, D_H), dtype=jnp.float32) * 0.05
    b1 = jnp.zeros((D_H,), dtype=jnp.float32)
    W2_self = jax.random.normal(ks[4], (D_H, D_OUT), dtype=jnp.float32) * 0.05
    W2_neigh = jax.random.normal(ks[5], (D_H, D_OUT), dtype=jnp.float32) * 0.05
    b2 = jnp.zeros((D_OUT,), dtype=jnp.float32)
    return {
        'x': x,
        'edge_index': edge_index,
        'W1_self': W1_self,
        'W1_neigh': W1_neigh,
        'b1': b1,
        'W2_self': W2_self,
        'W2_neigh': W2_neigh,
        'b2': b2,
    }


def _proj_graph_conv(x, edge_index, W_self, W_neigh, b):
    # GraphSAGE-style conv with projective normalization (UHG: points defined up to scale).
    src = edge_index[0]
    dst = edge_index[1]
    msgs = jnp.take(x, src, axis=0)  # gather: [E, d]
    n = x.shape[0]
    agg = jax.ops.segment_sum(msgs, dst, num_segments=n)  # scatter-add: [N, d]
    deg = jax.ops.segment_sum(jnp.ones((msgs.shape[0],), dtype=x.dtype), dst, num_segments=n)
    agg = agg / jnp.clip(deg, 1.0, None)[:, None]  # mean aggregation
    out = x @ W_self + agg @ W_neigh + b
    # projective normalization: scale-invariant representative on unit sphere
    norm = jnp.linalg.norm(out, axis=-1, keepdims=True)
    out = out / (norm + 1e-8)
    return out


def reference(x, edge_index, W1_self, W1_neigh, b1, W2_self, W2_neigh, b2):
    h = _proj_graph_conv(x, edge_index, W1_self, W1_neigh, b1)
    h = jax.nn.relu(h)
    out = _proj_graph_conv(h, edge_index, W2_self, W2_neigh, b2)
    return out

if __name__ == "__main__":
    import jax
    _d = setup_inputs()
    print(jax.jit(kernel)(*tuple(_d.values())))

</pallas_src>

<mosaic_0001>
#map = affine_map<(d0, d1) -> (0, 0)>
#map1 = affine_map<(d0, d1) -> (0, 0, 0)>
module attributes {stable_mosaic.version = 14 : i64} {
  func.func @_sc_agg_body(%arg0: i32, %arg1: i32, %arg2: memref<10000x128xf32, #tpu.memory_space<hbm>>, %arg3: memref<32x80x125xi32, #tpu.memory_space<hbm>>, %arg4: memref<32x80x125xi32, #tpu.memory_space<hbm>>, %arg5: memref<2x10240x128xf32, #tpu.memory_space<hbm>>, %arg6: memref<2x10240xf32, #tpu.memory_space<hbm>>, %arg7: memref<80x125xi32, #tpu.memory_space<vmem>>, %arg8: memref<80x125xi32, #tpu.memory_space<vmem>>, %arg9: memref<125x128xf32, #tpu.memory_space<vmem>>, %arg10: memref<128xf32, #tpu.memory_space<vmem>>, %arg11: memref<640xf32, #tpu.memory_space<vmem>>, %arg12: memref<10240x128xf32, #tpu.memory_space<vmem_shared>>, %arg13: memref<10240xf32, #tpu.memory_space<vmem_shared>>) attributes {dimension_semantics = [#tpu.dimension_semantics<core_parallel>, #tpu.dimension_semantics<subcore_parallel>], iteration_bounds = array<i64: 2, 16>, scalar_prefetch = 0 : i64, scratch_operands = 7 : i64, tpu.core_type = #tpu.core_type<sc_vector_subcore>, window_params = [{transform_indices = #map}, {transform_indices = #map1}, {transform_indices = #map1}, {transform_indices = #map1}, {transform_indices = #map}]} {
    %mul3A = arith.constant 16 : i32
    %mul3A_0 = arith.muli %arg0, %mul3A : i32
    %add3A = arith.addi %mul3A_0, %arg1 : i32
    %mul3A_1 = arith.constant 640 : i32
    %mul3A_2 = arith.muli %arg1, %mul3A_1 : i32
    %scan3A = arith.constant 0 : i32
    %scan3A_3 = arith.constant 0 : i32
    %scan3A_4 = arith.constant 1000 : i32
    %scan3A_5 = arith.addi %scan3A_3, %scan3A_4 : i32
    %scan3A_6 = arith.constant 1 : i32
    scf.for %scan3A_39 = %scan3A_3 to %scan3A_5 step %scan3A_6  : i32 {
      %broadcast_in_dim3A = arith.constant 0.000000e+00 : f32
      %broadcast_in_dim3A_40 = vector.broadcast %broadcast_in_dim3A : f32 to vector<16xf32>
      %jit3A = arith.constant 8 : i32
      %div3A = arith.divsi %scan3A_39, %jit3A : i32
      %sign3A = arith.constant 0 : i32
      %sign3A_41 = arith.cmpi sgt, %scan3A_39, %sign3A : i32
      %sign3A_42 = arith.extui %sign3A_41 : i1 to i32
      %sign3A_43 = arith.constant 0 : i32
      %sign3A_44 = arith.cmpi slt, %scan3A_39, %sign3A_43 : i32
      %sign3A_45 = arith.extui %sign3A_44 : i1 to i32
      %sign3A_46 = arith.subi %sign3A_42, %sign3A_45 : i32
      %sign3A_47 = arith.constant 0 : i32
      %sign3A_48 = arith.cmpi sgt, %jit3A, %sign3A_47 : i32
      %sign3A_49 = arith.extui %sign3A_48 : i1 to i32
      %sign3A_50 = arith.constant 0 : i32
      %sign3A_51 = arith.cmpi slt, %jit3A, %sign3A_50 : i32
      %sign3A_52 = arith.extui %sign3A_51 : i1 to i32
      %sign3A_53 = arith.subi %sign3A_49, %sign3A_52 : i32
      %ne3A = arith.cmpi ne, %sign3A_46, %sign3A_53 : i32
      %rem3A = arith.remsi %scan3A_39, %jit3A : i32
      %ne3A_54 = arith.constant 0 : i32
      %ne3A_55 = arith.cmpi ne, %rem3A, %ne3A_54 : i32
      %and3A = arith.andi %ne3A, %ne3A_55 : i1
      %sub3A = arith.constant 1 : i32
      %sub3A_56 = arith.subi %div3A, %sub3A : i32
      %select_n3A = arith.select %and3A, %sub3A_56, %div3A : i32
      %jit3A_57 = arith.constant 8 : i32
      %eq3A = arith.constant 0 : i32
      %eq3A_58 = arith.cmpi eq, %jit3A_57, %eq3A : i32
      %jit3A_59 = arith.constant 1 : i32
      %select_n3A_60 = arith.select %eq3A_58, %jit3A_59, %jit3A_57 : i32
      %rem3A_61 = arith.remsi %scan3A_39, %select_n3A_60 : i32
      %ne3A_62 = arith.constant 0 : i32
      %ne3A_63 = arith.cmpi ne, %rem3A_61, %ne3A_62 : i32
      %lt3A = arith.constant 0 : i32
      %lt3A_64 = arith.cmpi slt, %rem3A_61, %lt3A : i32
      %lt3A_65 = arith.constant 0 : i32
      %lt3A_66 = arith.cmpi slt, %select_n3A_60, %lt3A_65 : i32
      %ne3A_67 = arith.xori %lt3A_64, %lt3A_66 : i1
      %and3A_68 = arith.andi %ne3A_67, %ne3A_63 : i1
      %add3A_69 = arith.addi %rem3A_61, %select_n3A_60 : i32
      %select_n3A_70 = arith.select %and3A_68, %add3A_69, %rem3A_61 : i32
      %mul3A_71 = arith.constant 16 : i32
      %mul3A_72 = arith.muli %select_n3A_70, %mul3A_71 : i32
      %swap3A = arith.index_cast %select_n3A : i32 to index
      %swap3A_73 = arith.index_cast %mul3A_72 : i32 to index
      %swap3A_74 = tpu.vector_load %arg9[%swap3A, %swap3A_73] {strides = array<i32>} : memref<125x128xf32, #tpu.memory_space<vmem>>, vector<1x16xf32>,
      %swap3A_75 = vector.shape_cast %swap3A_74 : vector<1x16xf32> to vector<16xf32>
      %swap3A_76 = vector.shape_cast %broadcast_in_dim3A_40 : vector<16xf32> to vector<1x16xf32>
      tpu.vector_store %arg9[%swap3A, %swap3A_73], %swap3A_76 {strides = array<i32>} : memref<125x128xf32, #tpu.memory_space<vmem>>, vector<1x16xf32>,
    }
    %scan3A_7 = arith.constant 1000 : i32
    %scan3A_8 = arith.constant 0 : i32
    %scan3A_9 = arith.constant 0 : i32
    %scan3A_10 = arith.constant 8 : i32
    %scan3A_11 = arith.addi %scan3A_9, %scan3A_10 : i32
    %scan3A_12 = arith.constant 1 : i32
    scf.for %scan3A_39 = %scan3A_9 to %scan3A_11 step %scan3A_12  : i32 {
      %broadcast_in_dim3A = arith.constant 1.000000e+00 : f32
      %broadcast_in_dim3A_40 = vector.broadcast %broadcast_in_dim3A : f32 to vector<16xf32>
      %mul3A_41 = arith.constant 16 : i32
      %mul3A_42 = arith.muli %scan3A_39, %mul3A_41 : i32
      %swap3A = arith.index_cast %mul3A_42 : i32 to index
      %swap3A_43 = tpu.vector_load %arg10[%swap3A] {strides = array<i32>} : memref<128xf32, #tpu.memory_space<vmem>>, vector<16xf32>,
      %swap3A_44 = vector.shape_cast %swap3A_43 : vector<16xf32> to vector<16xf32>
      %swap3A_45 = vector.shape_cast %broadcast_in_dim3A_40 : vector<16xf32> to vector<16xf32>
      tpu.vector_store %arg10[%swap3A], %swap3A_45 {strides = array<i32>} : memref<128xf32, #tpu.memory_space<vmem>>, vector<16xf32>,
    }
    %scan3A_13 = arith.constant 8 : i32
    %scan3A_14 = arith.constant 0 : i32
    %scan3A_15 = arith.constant 0 : i32
    %scan3A_16 = arith.constant 40 : i32
    %scan3A_17 = arith.addi %scan3A_15, %scan3A_16 : i32
    %scan3A_18 = arith.constant 1 : i32
    scf.for %scan3A_39 = %scan3A_15 to %scan3A_17 step %scan3A_18  : i32 {
      %broadcast_in_dim3A = arith.constant 0.000000e+00 : f32
      %broadcast_in_dim3A_40 = vector.broadcast %broadcast_in_dim3A : f32 to vector<16xf32>
      %mul3A_41 = arith.constant 16 : i32
      %mul3A_42 = arith.muli %scan3A_39, %mul3A_41 : i32
      %swap3A = arith.index_cast %mul3A_42 : i32 to index
      %swap3A_43 = tpu.vector_load %arg11[%swap3A] {strides = array<i32>} : memref<640xf32, #tpu.memory_space<vmem>>, vector<16xf32>,
      %swap3A_44 = vector.shape_cast %swap3A_43 : vector<16xf32> to vector<16xf32>
      %swap3A_45 = vector.shape_cast %broadcast_in_dim3A_40 : vector<16xf32> to vector<16xf32>
      tpu.vector_store %arg11[%swap3A], %swap3A_45 {strides = array<i32>} : memref<640xf32, #tpu.memory_space<vmem>>, vector<16xf32>,
    }
    %scan3A_19 = arith.constant 40 : i32
    %add3A_20 = arith.constant 0 : i32
    %add3A_21 = arith.addi %mul3A_2, %add3A_20 : i32
    "tpu.region"() ({
      %run_scoped3A = tpu.sem_alloc : memref<!tpu.dma_semaphore, #tpu.memory_space<semaphore_mem>>
      %dma_start3A = arith.constant 0 : i32
      %dma_start3A_39 = tpu.memref_slice %arg12[%add3A_21, %dma_start3A] : memref<10240x128xf32, #tpu.memory_space<vmem_shared>> -> memref<125x128xf32, #tpu.memory_space<vmem_shared>>
      %dma_start3A_40 = arith.constant 0 : i32
      %dma_start3A_41 = tpu.memref_slice %arg12[%add3A_21, %dma_start3A_40] : memref<10240x128xf32, #tpu.memory_space<vmem_shared>> -> memref<125x128xf32, #tpu.memory_space<vmem_shared>>
      tpu.enqueue_dma source(%arg9 : memref<125x128xf32, #tpu.memory_space<vmem>>) target(%dma_start3A_41 : memref<125x128xf32, #tpu.memory_space<vmem_shared>>) target_semaphore(%run_scoped3A : memref<!tpu.dma_semaphore, #tpu.memory_space<semaphore_mem>>)
      %dma_wait3A = arith.constant 0 : i32
      %dma_wait3A_42 = tpu.memref_slice %arg12[%add3A_21, %dma_wait3A] : memref<10240x128xf32, #tpu.memory_space<vmem_shared>> -> memref<125x128xf32, #tpu.memory_space<vmem_shared>>
      %dma_wait3A_43 = arith.constant 0 : i32
      %dma_wait3A_44 = tpu.memref_slice %arg12[%add3A_21, %dma_wait3A_43] : memref<10240x128xf32, #tpu.memory_space<vmem_shared>> -> memref<125x128xf32, #tpu.memory_space<vmem_shared>>
      tpu.wait_dma2 semaphore(%run_scoped3A : memref<!tpu.dma_semaphore, #tpu.memory_space<semaphore_mem>>) src(%arg9 : memref<125x128xf32, #tpu.memory_space<vmem>>) dst(%dma_wait3A_44 : memref<125x128xf32, #tpu.memory_space<vmem_shared>>)
      tpu.yield
    }) : () -> ()
    %add3A_22 = arith.constant 125 : i32
    %add3A_23 = arith.addi %mul3A_2, %add3A_22 : i32
    "tpu.region"() ({
      %run_scoped3A = tpu.sem_alloc : memref<!tpu.dma_semaphore, #tpu.memory_space<semaphore_mem>>
      %dma_start3A = arith.constant 0 : i32
      %dma_start3A_39 = tpu.memref_slice %arg12[%add3A_23, %dma_start3A] : memref<10240x128xf32, #tpu.memory_space<vmem_shared>> -> memref<125x128xf32, #tpu.memory_space<vmem_shared>>
      %dma_start3A_40 = arith.constant 0 : i32
      %dma_start3A_41 = tpu.memref_slice %arg12[%add3A_23, %dma_start3A_40] : memref<10240x128xf32, #tpu.memory_space<vmem_shared>> -> memref<125x128xf32, #tpu.memory_space<vmem_shared>>
      tpu.enqueue_dma source(%arg9 : memref<125x128xf32, #tpu.memory_space<vmem>>) target(%dma_start3A_41 : memref<125x128xf32, #tpu.memory_space<vmem_shared>>) target_semaphore(%run_scoped3A : memref<!tpu.dma_semaphore, #tpu.memory_space<semaphore_mem>>)
      %dma_wait3A = arith.constant 0 : i32
      %dma_wait3A_42 = tpu.memref_slice %arg12[%add3A_23, %dma_wait3A] : memref<10240x128xf32, #tpu.memory_space<vmem_shared>> -> memref<125x128xf32, #tpu.memory_space<vmem_shared>>
      %dma_wait3A_43 = arith.constant 0 : i32
      %dma_wait3A_44 = tpu.memref_slice %arg12[%add3A_23, %dma_wait3A_43] : memref<10240x128xf32, #tpu.memory_space<vmem_shared>> -> memref<125x128xf32, #tpu.memory_space<vmem_shared>>
      tpu.wait_dma2 semaphore(%run_scoped3A : memref<!tpu.dma_semaphore, #tpu.memory_space<semaphore_mem>>) src(%arg9 : memref<125x128xf32, #tpu.memory_space<vmem>>) dst(%dma_wait3A_44 : memref<125x128xf32, #tpu.memory_space<vmem_shared>>)
      tpu.yield
    }) : () -> ()
    %add3A_24 = arith.constant 250 : i32
    %add3A_25 = arith.addi %mul3A_2, %add3A_24 : i32
    "tpu.region"() ({
      %run_scoped3A = tpu.sem_alloc : memref<!tpu.dma_semaphore, #tpu.memory_space<semaphore_mem>>
      %dma_start3A = arith.constant 0 : i32
      %dma_start3A_39 = tpu.memref_slice %arg12[%add3A_25, %dma_start3A] : memref<10240x128xf32, #tpu.memory_space<vmem_shared>> -> memref<125x128xf32, #tpu.memory_space<vmem_shared>>
      %dma_start3A_40 = arith.constant 0 : i32
      %dma_start3A_41 = tpu.memref_slice %arg12[%add3A_25, %dma_start3A_40] : memref<10240x128xf32, #tpu.memory_space<vmem_shared>> -> memref<125x128xf32, #tpu.memory_space<vmem_shared>>
      tpu.enqueue_dma source(%arg9 : memref<125x128xf32, #tpu.memory_space<vmem>>) target(%dma_start3A_41 : memref<125x128xf32, #tpu.memory_space<vmem_shared>>) target_semaphore(%run_scoped3A : memref<!tpu.dma_semaphore, #tpu.memory_space<semaphore_mem>>)
      %dma_wait3A = arith.constant 0 : i32
      %dma_wait3A_42 = tpu.memref_slice %arg12[%add3A_25, %dma_wait3A] : memref<10240x128xf32, #tpu.memory_space<vmem_shared>> -> memref<125x128xf32, #tpu.memory_space<vmem_shared>>
      %dma_wait3A_43 = arith.constant 0 : i32
      %dma_wait3A_44 = tpu.memref_slice %arg12[%add3A_25, %dma_wait3A_43] : memref<10240x128xf32, #tpu.memory_space<vmem_shared>> -> memref<125x128xf32, #tpu.memory_space<vmem_shared>>
      tpu.wait_dma2 semaphore(%run_scoped3A : memref<!tpu.dma_semaphore, #tpu.memory_space<semaphore_mem>>) src(%arg9 : memref<125x128xf32, #tpu.memory_space<vmem>>) dst(%dma_wait3A_44 : memref<125x128xf32, #tpu.memory_space<vmem_shared>>)
      tpu.yield
    }) : () -> ()
    %add3A_26 = arith.constant 375 : i32
    %add3A_27 = arith.addi %mul3A_2, %add3A_26 : i32
    "tpu.region"() ({
      %run_scoped3A = tpu.sem_alloc : memref<!tpu.dma_semaphore, #tpu.memory_space<semaphore_mem>>
      %dma_start3A = arith.constant 0 : i32
      %dma_start3A_39 = tpu.memref_slice %arg12[%add3A_27, %dma_start3A] : memref<10240x128xf32, #tpu.memory_space<vmem_shared>> -> memref<125x128xf32, #tpu.memory_space<vmem_shared>>
      %dma_start3A_40 = arith.constant 0 : i32
      %dma_start3A_41 = tpu.memref_slice %arg12[%add3A_27, %dma_start3A_40] : memref<10240x128xf32, #tpu.memory_space<vmem_shared>> -> memref<125x128xf32, #tpu.memory_space<vmem_shared>>
      tpu.enqueue_dma source(%arg9 : memref<125x128xf32, #tpu.memory_space<vmem>>) target(%dma_start3A_41 : memref<125x128xf32, #tpu.memory_space<vmem_shared>>) target_semaphore(%run_scoped3A : memref<!tpu.dma_semaphore, #tpu.memory_space<semaphore_mem>>)
      %dma_wait3A = arith.constant 0 : i32
      %dma_wait3A_42 = tpu.memref_slice %arg12[%add3A_27, %dma_wait3A] : memref<10240x128xf32, #tpu.memory_space<vmem_shared>> -> memref<125x128xf32, #tpu.memory_space<vmem_shared>>
      %dma_wait3A_43 = arith.constant 0 : i32
      %dma_wait3A_44 = tpu.memref_slice %arg12[%add3A_27, %dma_wait3A_43] : memref<10240x128xf32, #tpu.memory_space<vmem_shared>> -> memref<125x128xf32, #tpu.memory_space<vmem_shared>>
      tpu.wait_dma2 semaphore(%run_scoped3A : memref<!tpu.dma_semaphore, #tpu.memory_space<semaphore_mem>>) src(%arg9 : memref<125x128xf32, #tpu.memory_space<vmem>>) dst(%dma_wait3A_44 : memref<125x128xf32, #tpu.memory_space<vmem_shared>>)
      tpu.yield
    }) : () -> ()
    %add3A_28 = arith.constant 500 : i32
    %add3A_29 = arith.addi %mul3A_2, %add3A_28 : i32
    "tpu.region"() ({
      %run_scoped3A = tpu.sem_alloc : memref<!tpu.dma_semaphore, #tpu.memory_space<semaphore_mem>>
      %dma_start3A = arith.constant 0 : i32
      %dma_start3A_39 = tpu.memref_slice %arg12[%add3A_29, %dma_start3A] : memref<10240x128xf32, #tpu.memory_space<vmem_shared>> -> memref<125x128xf32, #tpu.memory_space<vmem_shared>>
      %dma_start3A_40 = arith.constant 0 : i32
      %dma_start3A_41 = tpu.memref_slice %arg12[%add3A_29, %dma_start3A_40] : memref<10240x128xf32, #tpu.memory_space<vmem_shared>> -> memref<125x128xf32, #tpu.memory_space<vmem_shared>>
      tpu.enqueue_dma source(%arg9 : memref<125x128xf32, #tpu.memory_space<vmem>>) target(%dma_start3A_41 : memref<125x128xf32, #tpu.memory_space<vmem_shared>>) target_semaphore(%run_scoped3A : memref<!tpu.dma_semaphore, #tpu.memory_space<semaphore_mem>>)
      %dma_wait3A = arith.constant 0 : i32
      %dma_wait3A_42 = tpu.memref_slice %arg12[%add3A_29, %dma_wait3A] : memref<10240x128xf32, #tpu.memory_space<vmem_shared>> -> memref<125x128xf32, #tpu.memory_space<vmem_shared>>
      %dma_wait3A_43 = arith.constant 0 : i32
      %dma_wait3A_44 = tpu.memref_slice %arg12[%add3A_29, %dma_wait3A_43] : memref<10240x128xf32, #tpu.memory_space<vmem_shared>> -> memref<125x128xf32, #tpu.memory_space<vmem_shared>>
      tpu.wait_dma2 semaphore(%run_scoped3A : memref<!tpu.dma_semaphore, #tpu.memory_space<semaphore_mem>>) src(%arg9 : memref<125x128xf32, #tpu.memory_space<vmem>>) dst(%dma_wait3A_44 : memref<125x128xf32, #tpu.memory_space<vmem_shared>>)
      tpu.yield
    }) : () -> ()
    %add3A_30 = arith.constant 625 : i32
    %add3A_31 = arith.addi %mul3A_2, %add3A_30 : i32
    "tpu.region"() ({
      %run_scoped3A = tpu.sem_alloc : memref<!tpu.dma_semaphore, #tpu.memory_space<semaphore_mem>>
      %dma_start3A = arith.constant 0 : i32
      %dma_start3A_39 = arith.constant 0 : i32
      %dma_start3A_40 = tpu.memref_slice %arg9[%dma_start3A, %dma_start3A_39] : memref<125x128xf32, #tpu.memory_space<vmem>> -> memref<15x128xf32, #tpu.memory_space<vmem>>
      %dma_start3A_41 = arith.constant 0 : i32
      %dma_start3A_42 = tpu.memref_slice %arg12[%add3A_31, %dma_start3A_41] : memref<10240x128xf32, #tpu.memory_space<vmem_shared>> -> memref<15x128xf32, #tpu.memory_space<vmem_shared>>
      %dma_start3A_43 = arith.constant 0 : i32
      %dma_start3A_44 = tpu.memref_slice %arg12[%add3A_31, %dma_start3A_43] : memref<10240x128xf32, #tpu.memory_space<vmem_shared>> -> memref<15x128xf32, #tpu.memory_space<vmem_shared>>
      %dma_start3A_45 = arith.constant 0 : i32
      %dma_start3A_46 = arith.constant 0 : i32
      %dma_start3A_47 = tpu.memref_slice %arg9[%dma_start3A_45, %dma_start3A_46] : memref<125x128xf32, #tpu.memory_space<vmem>> -> memref<15x128xf32, #tpu.memory_space<vmem>>
      tpu.enqueue_dma source(%dma_start3A_47 : memref<15x128xf32, #tpu.memory_space<vmem>>) target(%dma_start3A_44 : memref<15x128xf32, #tpu.memory_space<vmem_shared>>) target_semaphore(%run_scoped3A : memref<!tpu.dma_semaphore, #tpu.memory_space<semaphore_mem>>)
      %dma_wait3A = arith.constant 0 : i32
      %dma_wait3A_48 = arith.constant 0 : i32
      %dma_wait3A_49 = tpu.memref_slice %arg9[%dma_wait3A, %dma_wait3A_48] : memref<125x128xf32, #tpu.memory_space<vmem>> -> memref<15x128xf32, #tpu.memory_space<vmem>>
      %dma_wait3A_50 = arith.constant 0 : i32
      %dma_wait3A_51 = tpu.memref_slice %arg12[%add3A_31, %dma_wait3A_50] : memref<10240x128xf32, #tpu.memory_space<vmem_shared>> -> memref<15x128xf32, #tpu.memory_space<vmem_shared>>
      %dma_wait3A_52 = arith.constant 0 : i32
      %dma_wait3A_53 = tpu.memref_slice %arg12[%add3A_31, %dma_wait3A_52] : memref<10240x128xf32, #tpu.memory_space<vmem_shared>> -> memref<15x128xf32, #tpu.memory_space<vmem_shared>>
      %dma_wait3A_54 = arith.constant 0 : i32
      %dma_wait3A_55 = arith.constant 0 : i32
      %dma_wait3A_56 = tpu.memref_slice %arg9[%dma_wait3A_54, %dma_wait3A_55] : memref<125x128xf32, #tpu.memory_space<vmem>> -> memref<15x128xf32, #tpu.memory_space<vmem>>
      tpu.wait_dma2 semaphore(%run_scoped3A : memref<!tpu.dma_semaphore, #tpu.memory_space<semaphore_mem>>) src(%dma_wait3A_56 : memref<15x128xf32, #tpu.memory_space<vmem>>) dst(%dma_wait3A_53 : memref<15x128xf32, #tpu.memory_space<vmem_shared>>)
      tpu.yield
    }) : () -> ()
    "tpu.region"() ({
      %run_scoped3A = tpu.sem_alloc : memref<!tpu.dma_semaphore, #tpu.memory_space<semaphore_mem>>
      %dma_start3A = tpu.memref_slice %arg13[%mul3A_2] : memref<10240xf32, #tpu.memory_space<vmem_shared>> -> memref<640xf32, #tpu.memory_space<vmem_shared>>
      %dma_start3A_39 = tpu.memref_slice %arg13[%mul3A_2] : memref<10240xf32, #tpu.memory_space<vmem_shared>> -> memref<640xf32, #tpu.memory_space<vmem_shared>>
      tpu.enqueue_dma source(%arg11 : memref<640xf32, #tpu.memory_space<vmem>>) target(%dma_start3A_39 : memref<640xf32, #tpu.memory_space<vmem_shared>>) target_semaphore(%run_scoped3A : memref<!tpu.dma_semaphore, #tpu.memory_space<semaphore_mem>>)
      %dma_wait3A = tpu.memref_slice %arg13[%mul3A_2] : memref<10240xf32, #tpu.memory_space<vmem_shared>> -> memref<640xf32, #tpu.memory_space<vmem_shared>>
      %dma_wait3A_40 = tpu.memref_slice %arg13[%mul3A_2] : memref<10240xf32, #tpu.memory_space<vmem_shared>> -> memref<640xf32, #tpu.memory_space<vmem_shared>>
      tpu.wait_dma2 semaphore(%run_scoped3A : memref<!tpu.dma_semaphore, #tpu.memory_space<semaphore_mem>>) src(%arg11 : memref<640xf32, #tpu.memory_space<vmem>>) dst(%dma_wait3A_40 : memref<640xf32, #tpu.memory_space<vmem_shared>>)
      tpu.yield
    }) : () -> ()
    %barrier3A = arith.constant 0 : index
    tpu.barrier barrier_id(%barrier3A)
    "tpu.region"() ({
      %run_scoped3A = tpu.sem_alloc : memref<!tpu.dma_semaphore, #tpu.memory_space<semaphore_mem>>
      %dma_start3A = arith.constant 0 : i32
      %dma_start3A_39 = arith.constant 0 : i32
      %dma_start3A_40 = tpu.memref_slice %arg3[%add3A, %dma_start3A, %dma_start3A_39] : memref<32x80x125xi32, #tpu.memory_space<hbm>> -> memref<1x80x125xi32, #tpu.memory_space<hbm>>
      %dma_start3A_41 = tpu.memref_squeeze %dma_start3A_40 : memref<1x80x125xi32, #tpu.memory_space<hbm>> -> memref<80x125xi32, #tpu.memory_space<hbm>>
      %dma_start3A_42 = arith.constant 0 : i32
      %dma_start3A_43 = arith.constant 0 : i32
      %dma_start3A_44 = tpu.memref_slice %arg3[%add3A, %dma_start3A_42, %dma_start3A_43] : memref<32x80x125xi32, #tpu.memory_space<hbm>> -> memref<1x80x125xi32, #tpu.memory_space<hbm>>
      %dma_start3A_45 = tpu.memref_squeeze %dma_start3A_44 : memref<1x80x125xi32, #tpu.memory_space<hbm>> -> memref<80x125xi32, #tpu.memory_space<hbm>>
      tpu.enqueue_dma source(%dma_start3A_45 : memref<80x125xi32, #tpu.memory_space<hbm>>) target(%arg7 : memref<80x125xi32, #tpu.memory_space<vmem>>) target_semaphore(%run_scoped3A : memref<!tpu.dma_semaphore, #tpu.memory_space<semaphore_mem>>)
      %dma_wait3A = arith.constant 0 : i32
      %dma_wait3A_46 = arith.constant 0 : i32
      %dma_wait3A_47 = tpu.memref_slice %arg3[%add3A, %dma_wait3A, %dma_wait3A_46] : memref<32x80x125xi32, #tpu.memory_space<hbm>> -> memref<1x80x125xi32, #tpu.memory_space<hbm>>
      %dma_wait3A_48 = tpu.memref_squeeze %dma_wait3A_47 : memref<1x80x125xi32, #tpu.memory_space<hbm>> -> memref<80x125xi32, #tpu.memory_space<hbm>>
      %dma_wait3A_49 = arith.constant 0 : i32
      %dma_wait3A_50 = arith.constant 0 : i32
      %dma_wait3A_51 = tpu.memref_slice %arg3[%add3A, %dma_wait3A_49, %dma_wait3A_50] : memref<32x80x125xi32, #tpu.memory_space<hbm>> -> memref<1x80x125xi32, #tpu.memory_space<hbm>>
      %dma_wait3A_52 = tpu.memref_squeeze %dma_wait3A_51 : memref<1x80x125xi32, #tpu.memory_space<hbm>> -> memref<80x125xi32, #tpu.memory_space<hbm>>
      tpu.wait_dma2 semaphore(%run_scoped3A : memref<!tpu.dma_semaphore, #tpu.memory_space<semaphore_mem>>) src(%dma_wait3A_52 : memref<80x125xi32, #tpu.memory_space<hbm>>) dst(%arg7 : memref<80x125xi32, #tpu.memory_space<vmem>>)
      tpu.yield
    }) : () -> ()
    "tpu.region"() ({
      %run_scoped3A = tpu.sem_alloc : memref<!tpu.dma_semaphore, #tpu.memory_space<semaphore_mem>>
      %dma_start3A = arith.constant 0 : i32
      %dma_start3A_39 = arith.constant 0 : i32
      %dma_start3A_40 = tpu.memref_slice %arg4[%add3A, %dma_start3A, %dma_start3A_39] : memref<32x80x125xi32, #tpu.memory_space<hbm>> -> memref<1x80x125xi32, #tpu.memory_space<hbm>>
      %dma_start3A_41 = tpu.memref_squeeze %dma_start3A_40 : memref<1x80x125xi32, #tpu.memory_space<hbm>> -> memref<80x125xi32, #tpu.memory_space<hbm>>
      %dma_start3A_42 = arith.constant 0 : i32
      %dma_start3A_43 = arith.constant 0 : i32
      %dma_start3A_44 = tpu.memref_slice %arg4[%add3A, %dma_start3A_42, %dma_start3A_43] : memref<32x80x125xi32, #tpu.memory_space<hbm>> -> memref<1x80x125xi32, #tpu.memory_space<hbm>>
      %dma_start3A_45 = tpu.memref_squeeze %dma_start3A_44 : memref<1x80x125xi32, #tpu.memory_space<hbm>> -> memref<80x125xi32, #tpu.memory_space<hbm>>
      tpu.enqueue_dma source(%dma_start3A_45 : memref<80x125xi32, #tpu.memory_space<hbm>>) target(%arg8 : memref<80x125xi32, #tpu.memory_space<vmem>>) target_semaphore(%run_scoped3A : memref<!tpu.dma_semaphore, #tpu.memory_space<semaphore_mem>>)
      %dma_wait3A = arith.constant 0 : i32
      %dma_wait3A_46 = arith.constant 0 : i32
      %dma_wait3A_47 = tpu.memref_slice %arg4[%add3A, %dma_wait3A, %dma_wait3A_46] : memref<32x80x125xi32, #tpu.memory_space<hbm>> -> memref<1x80x125xi32, #tpu.memory_space<hbm>>
      %dma_wait3A_48 = tpu.memref_squeeze %dma_wait3A_47 : memref<1x80x125xi32, #tpu.memory_space<hbm>> -> memref<80x125xi32, #tpu.memory_space<hbm>>
      %dma_wait3A_49 = arith.constant 0 : i32
      %dma_wait3A_50 = arith.constant 0 : i32
      %dma_wait3A_51 = tpu.memref_slice %arg4[%add3A, %dma_wait3A_49, %dma_wait3A_50] : memref<32x80x125xi32, #tpu.memory_space<hbm>> -> memref<1x80x125xi32, #tpu.memory_space<hbm>>
      %dma_wait3A_52 = tpu.memref_squeeze %dma_wait3A_51 : memref<1x80x125xi32, #tpu.memory_space<hbm>> -> memref<80x125xi32, #tpu.memory_space<hbm>>
      tpu.wait_dma2 semaphore(%run_scoped3A : memref<!tpu.dma_semaphore, #tpu.memory_space<semaphore_mem>>) src(%dma_wait3A_52 : memref<80x125xi32, #tpu.memory_space<hbm>>) dst(%arg8 : memref<80x125xi32, #tpu.memory_space<vmem>>)
      tpu.yield
    }) : () -> ()
    %scan3A_32 = arith.constant 0 : i32
    %scan3A_33 = arith.constant 0 : i32
    %scan3A_34 = arith.constant 80 : i32
    %scan3A_35 = arith.addi %scan3A_33, %scan3A_34 : i32
    %scan3A_36 = arith.constant 1 : i32
    scf.for %scan3A_39 = %scan3A_33 to %scan3A_35 step %scan3A_36  : i32 {
      "tpu.region"() ({
        %run_scoped3A = tpu.sem_alloc : memref<!tpu.dma_semaphore, #tpu.memory_space<semaphore_mem>>
        %dma_start3A = arith.constant 0 : i32
        %dma_start3A_40 = tpu.memref_slice %arg7[%scan3A_39, %dma_start3A] : memref<80x125xi32, #tpu.memory_space<vmem>> -> memref<1x125xi32, #tpu.memory_space<vmem>>
        %dma_start3A_41 = tpu.memref_squeeze %dma_start3A_40 : memref<1x125xi32, #tpu.memory_space<vmem>> -> memref<125xi32, #tpu.memory_space<vmem>>
        %dma_start3A_42 = arith.constant 0 : i32
        %dma_start3A_43 = arith.constant 0 : i32
        %dma_start3A_44 = tpu.memref_slice %arg2[%dma_start3A_42, %dma_start3A_43] : memref<10000x128xf32, #tpu.memory_space<hbm>> -> memref<10000x128xf32, #tpu.memory_space<hbm>>
        tpu.enqueue_indirect_dma source(%dma_start3A_44 : memref<10000x128xf32, #tpu.memory_space<hbm>>) target(%arg9 : memref<125x128xf32, #tpu.memory_space<vmem>>) offsets(%dma_start3A_41 : memref<125xi32, #tpu.memory_space<vmem>>) semaphore(%run_scoped3A : memref<!tpu.dma_semaphore, #tpu.memory_space<semaphore_mem>>)
        %dma_wait3A = arith.constant 0 : i32
        %dma_wait3A_45 = tpu.memref_slice %arg7[%scan3A_39, %dma_wait3A] : memref<80x125xi32, #tpu.memory_space<vmem>> -> memref<1x125xi32, #tpu.memory_space<vmem>>
        %dma_wait3A_46 = tpu.memref_squeeze %dma_wait3A_45 : memref<1x125xi32, #tpu.memory_space<vmem>> -> memref<125xi32, #tpu.memory_space<vmem>>
        %dma_wait3A_47 = arith.constant 0 : i32
        %dma_wait3A_48 = arith.constant 0 : i32
        %dma_wait3A_49 = tpu.memref_slice %arg2[%dma_wait3A_47, %dma_wait3A_48] : memref<10000x128xf32, #tpu.memory_space<hbm>> -> memref<10000x128xf32, #tpu.memory_space<hbm>>
        tpu.wait_indirect_dma semaphore(%run_scoped3A : memref<!tpu.dma_semaphore, #tpu.memory_space<semaphore_mem>>) src(%dma_wait3A_49 : memref<10000x128xf32, #tpu.memory_space<hbm>>) dst(%arg9 : memref<125x128xf32, #tpu.memory_space<vmem>>)
        tpu.yield
      }) : () -> ()
      "tpu.region"() ({
        %run_scoped3A = tpu.sem_alloc : memref<!tpu.dma_semaphore, #tpu.memory_space<semaphore_mem>>
        %dma_start3A = arith.constant 0 : i32
        %dma_start3A_40 = tpu.memref_slice %arg8[%scan3A_39, %dma_start3A] : memref<80x125xi32, #tpu.memory_space<vmem>> -> memref<1x125xi32, #tpu.memory_space<vmem>>
        %dma_start3A_41 = tpu.memref_squeeze %dma_start3A_40 : memref<1x125xi32, #tpu.memory_space<vmem>> -> memref<125xi32, #tpu.memory_space<vmem>>
        %dma_start3A_42 = arith.constant 0 : i32
        %dma_start3A_43 = arith.constant 0 : i32
        %dma_start3A_44 = tpu.memref_slice %arg12[%dma_start3A_42, %dma_start3A_43] : memref<10240x128xf32, #tpu.memory_space<vmem_shared>> -> memref<10240x128xf32, #tpu.memory_space<vmem_shared>>
        tpu.enqueue_indirect_dma source(%arg9 : memref<125x128xf32, #tpu.memory_space<vmem>>) target(%dma_start3A_44 : memref<10240x128xf32, #tpu.memory_space<vmem_shared>>) offsets(%dma_start3A_41 : memref<125xi32, #tpu.memory_space<vmem>>) semaphore(%run_scoped3A : memref<!tpu.dma_semaphore, #tpu.memory_space<semaphore_mem>>) {add = true}
        %dma_wait3A = arith.constant 0 : i32
        %dma_wait3A_45 = tpu.memref_slice %arg8[%scan3A_39, %dma_wait3A] : memref<80x125xi32, #tpu.memory_space<vmem>> -> memref<1x125xi32, #tpu.memory_space<vmem>>
        %dma_wait3A_46 = tpu.memref_squeeze %dma_wait3A_45 : memref<1x125xi32, #tpu.memory_space<vmem>> -> memref<125xi32, #tpu.memory_space<vmem>>
        %dma_wait3A_47 = arith.constant 0 : i32
        %dma_wait3A_48 = arith.constant 0 : i32
        %dma_wait3A_49 = tpu.memref_slice %arg12[%dma_wait3A_47, %dma_wait3A_48] : memref<10240x128xf32, #tpu.memory_space<vmem_shared>> -> memref<10240x128xf32, #tpu.memory_space<vmem_shared>>
        tpu.wait_indirect_dma semaphore(%run_scoped3A : memref<!tpu.dma_semaphore, #tpu.memory_space<semaphore_mem>>) src(%arg9 : memref<125x128xf32, #tpu.memory_space<vmem>>) dst(%dma_wait3A_49 : memref<10240x128xf32, #tpu.memory_space<vmem_shared>>)
        tpu.yield
      }) : () -> ()
      "tpu.region"() ({
        %run_scoped3A = tpu.sem_alloc : memref<!tpu.dma_semaphore, #tpu.memory_space<semaphore_mem>>
        %dma_start3A = arith.constant 0 : i32
        %dma_start3A_40 = tpu.memref_slice %arg10[%dma_start3A] : memref<128xf32, #tpu.memory_space<vmem>> -> memref<125xf32, #tpu.memory_space<vmem>>
        %dma_start3A_41 = arith.constant 0 : i32
        %dma_start3A_42 = tpu.memref_slice %arg8[%scan3A_39, %dma_start3A_41] : memref<80x125xi32, #tpu.memory_space<vmem>> -> memref<1x125xi32, #tpu.memory_space<vmem>>
        %dma_start3A_43 = tpu.memref_squeeze %dma_start3A_42 : memref<1x125xi32, #tpu.memory_space<vmem>> -> memref<125xi32, #tpu.memory_space<vmem>>
        %dma_start3A_44 = arith.constant 0 : i32
        %dma_start3A_45 = tpu.memref_slice %arg13[%dma_start3A_44] : memref<10240xf32, #tpu.memory_space<vmem_shared>> -> memref<10240xf32, #tpu.memory_space<vmem_shared>>
        tpu.enqueue_indirect_dma source(%dma_start3A_40 : memref<125xf32, #tpu.memory_space<vmem>>) target(%dma_start3A_45 : memref<10240xf32, #tpu.memory_space<vmem_shared>>) offsets(%dma_start3A_43 : memref<125xi32, #tpu.memory_space<vmem>>) semaphore(%run_scoped3A : memref<!tpu.dma_semaphore, #tpu.memory_space<semaphore_mem>>) {add = true}
        %dma_wait3A = arith.constant 0 : i32
        %dma_wait3A_46 = tpu.memref_slice %arg10[%dma_wait3A] : memref<128xf32, #tpu.memory_space<vmem>> -> memref<125xf32, #tpu.memory_space<vmem>>
        %dma_wait3A_47 = arith.constant 0 : i32
        %dma_wait3A_48 = tpu.memref_slice %arg8[%scan3A_39, %dma_wait3A_47] : memref<80x125xi32, #tpu.memory_space<vmem>> -> memref<1x125xi32, #tpu.memory_space<vmem>>
        %dma_wait3A_49 = tpu.memref_squeeze %dma_wait3A_48 : memref<1x125xi32, #tpu.memory_space<vmem>> -> memref<125xi32, #tpu.memory_space<vmem>>
        %dma_wait3A_50 = arith.constant 0 : i32
        %dma_wait3A_51 = tpu.memref_slice %arg13[%dma_wait3A_50] : memref<10240xf32, #tpu.memory_space<vmem_shared>> -> memref<10240xf32, #tpu.memory_space<vmem_shared>>
        tpu.wait_indirect_dma semaphore(%run_scoped3A : memref<!tpu.dma_semaphore, #tpu.memory_space<semaphore_mem>>) src(%dma_wait3A_46 : memref<125xf32, #tpu.memory_space<vmem>>) dst(%dma_wait3A_51 : memref<10240xf32, #tpu.memory_space<vmem_shared>>)
        tpu.yield
      }) : () -> ()
    }
    %scan3A_37 = arith.constant 80 : i32
    %barrier3A_38 = arith.constant 0 : index
    tpu.barrier barrier_id(%barrier3A_38)
    "tpu.region"() ({
      %run_scoped3A = tpu.sem_alloc : memref<!tpu.dma_semaphore, #tpu.memory_space<semaphore_mem>>
      %dma_start3A = arith.constant 0 : i32
      %dma_start3A_39 = tpu.memref_slice %arg5[%arg0, %mul3A_2, %dma_start3A] : memref<2x10240x128xf32, #tpu.memory_space<hbm>> -> memref<1x640x128xf32, #tpu.memory_space<hbm>>
      %dma_start3A_40 = tpu.memref_squeeze %dma_start3A_39 : memref<1x640x128xf32, #tpu.memory_space<hbm>> -> memref<640x128xf32, #tpu.memory_space<hbm>>
      %dma_start3A_41 = arith.constant 0 : i32
      %dma_start3A_42 = tpu.memref_slice %arg12[%mul3A_2, %dma_start3A_41] : memref<10240x128xf32, #tpu.memory_space<vmem_shared>> -> memref<640x128xf32, #tpu.memory_space<vmem_shared>>
      tpu.enqueue_dma source(%dma_start3A_42 : memref<640x128xf32, #tpu.memory_space<vmem_shared>>) target(%dma_start3A_40 : memref<640x128xf32, #tpu.memory_space<hbm>>) target_semaphore(%run_scoped3A : memref<!tpu.dma_semaphore, #tpu.memory_space<semaphore_mem>>)
      %dma_wait3A = arith.constant 0 : i32
      %dma_wait3A_43 = tpu.memref_slice %arg5[%arg0, %mul3A_2, %dma_wait3A] : memref<2x10240x128xf32, #tpu.memory_space<hbm>> -> memref<1x640x128xf32, #tpu.memory_space<hbm>>
      %dma_wait3A_44 = tpu.memref_squeeze %dma_wait3A_43 : memref<1x640x128xf32, #tpu.memory_space<hbm>> -> memref<640x128xf32, #tpu.memory_space<hbm>>
      %dma_wait3A_45 = arith.constant 0 : i32
      %dma_wait3A_46 = tpu.memref_slice %arg12[%mul3A_2, %dma_wait3A_45] : memref<10240x128xf32, #tpu.memory_space<vmem_shared>> -> memref<640x128xf32, #tpu.memory_space<vmem_shared>>
      tpu.wait_dma2 semaphore(%run_scoped3A : memref<!tpu.dma_semaphore, #tpu.memory_space<semaphore_mem>>) src(%dma_wait3A_46 : memref<640x128xf32, #tpu.memory_space<vmem_shared>>) dst(%dma_wait3A_44 : memref<640x128xf32, #tpu.memory_space<hbm>>)
      tpu.yield
    }) : () -> ()
    "tpu.region"() ({
      %run_scoped3A = tpu.sem_alloc : memref<!tpu.dma_semaphore, #tpu.memory_space<semaphore_mem>>
      %dma_start3A = tpu.memref_slice %arg6[%arg0, %mul3A_2] : memref<2x10240xf32, #tpu.memory_space<hbm>> -> memref<1x640xf32, #tpu.memory_space<hbm>>
      %dma_start3A_39 = tpu.memref_squeeze %dma_start3A : memref<1x640xf32, #tpu.memory_space<hbm>> -> memref<640xf32, #tpu.memory_space<hbm>>
      %dma_start3A_40 = tpu.memref_slice %arg13[%mul3A_2] : memref<10240xf32, #tpu.memory_space<vmem_shared>> -> memref<640xf32, #tpu.memory_space<vmem_shared>>
      tpu.enqueue_dma source(%dma_start3A_40 : memref<640xf32, #tpu.memory_space<vmem_shared>>) target(%dma_start3A_39 : memref<640xf32, #tpu.memory_space<hbm>>) target_semaphore(%run_scoped3A : memref<!tpu.dma_semaphore, #tpu.memory_space<semaphore_mem>>)
      %dma_wait3A = tpu.memref_slice %arg6[%arg0, %mul3A_2] : memref<2x10240xf32, #tpu.memory_space<hbm>> -> memref<1x640xf32, #tpu.memory_space<hbm>>
      %dma_wait3A_41 = tpu.memref_squeeze %dma_wait3A : memref<1x640xf32, #tpu.memory_space<hbm>> -> memref<640xf32, #tpu.memory_space<hbm>>
      %dma_wait3A_42 = tpu.memref_slice %arg13[%mul3A_2] : memref<10240xf32, #tpu.memory_space<vmem_shared>> -> memref<640xf32, #tpu.memory_space<vmem_shared>>
      tpu.wait_dma2 semaphore(%run_scoped3A : memref<!tpu.dma_semaphore, #tpu.memory_space<semaphore_mem>>) src(%dma_wait3A_42 : memref<640xf32, #tpu.memory_space<vmem_shared>>) dst(%dma_wait3A_41 : memref<640xf32, #tpu.memory_space<hbm>>)
      tpu.yield
    }) : () -> ()
    return
  }
}

#map = affine_map<(d0, d1) -> (0, 0)>
#map1 = affine_map<(d0, d1) -> (0, 0, 0)>
module attributes {stable_mosaic.version = 14 : i64} {
  func.func @_sc_agg_body(%arg0: i32, %arg1: i32, %arg2: memref<10000x128xf32, #tpu.memory_space<hbm>>, %arg3: memref<32x80x125xi32, #tpu.memory_space<hbm>>, %arg4: memref<32x80x125xi32, #tpu.memory_space<hbm>>, %arg5: memref<2x10240x128xf32, #tpu.memory_space<hbm>>, %arg6: memref<80x125xi32, #tpu.memory_space<vmem>>, %arg7: memref<80x125xi32, #tpu.memory_space<vmem>>, %arg8: memref<125x128xf32, #tpu.memory_space<vmem>>, %arg9: memref<10240x128xf32, #tpu.memory_space<vmem_shared>>) attributes {dimension_semantics = [#tpu.dimension_semantics<core_parallel>, #tpu.dimension_semantics<subcore_parallel>], iteration_bounds = array<i64: 2, 16>, scalar_prefetch = 0 : i64, scratch_operands = 4 : i64, tpu.core_type = #tpu.core_type<sc_vector_subcore>, window_params = [{transform_indices = #map}, {transform_indices = #map1}, {transform_indices = #map1}, {transform_indices = #map1}]} {
    %mul3A = arith.constant 16 : i32
    %mul3A_0 = arith.muli %arg0, %mul3A : i32
    %add3A = arith.addi %mul3A_0, %arg1 : i32
    %mul3A_1 = arith.constant 640 : i32
    %mul3A_2 = arith.muli %arg1, %mul3A_1 : i32
    %scan3A = arith.constant 0 : i32
    %scan3A_3 = arith.constant 0 : i32
    %scan3A_4 = arith.constant 1000 : i32
    %scan3A_5 = arith.addi %scan3A_3, %scan3A_4 : i32
    %scan3A_6 = arith.constant 1 : i32
    scf.for %scan3A_27 = %scan3A_3 to %scan3A_5 step %scan3A_6  : i32 {
      %broadcast_in_dim3A = arith.constant 0.000000e+00 : f32
      %broadcast_in_dim3A_28 = vector.broadcast %broadcast_in_dim3A : f32 to vector<16xf32>
      %jit3A = arith.constant 8 : i32
      %div3A = arith.divsi %scan3A_27, %jit3A : i32
      %sign3A = arith.constant 0 : i32
      %sign3A_29 = arith.cmpi sgt, %scan3A_27, %sign3A : i32
      %sign3A_30 = arith.extui %sign3A_29 : i1 to i32
      %sign3A_31 = arith.constant 0 : i32
      %sign3A_32 = arith.cmpi slt, %scan3A_27, %sign3A_31 : i32
      %sign3A_33 = arith.extui %sign3A_32 : i1 to i32
      %sign3A_34 = arith.subi %sign3A_30, %sign3A_33 : i32
      %sign3A_35 = arith.constant 0 : i32
      %sign3A_36 = arith.cmpi sgt, %jit3A, %sign3A_35 : i32
      %sign3A_37 = arith.extui %sign3A_36 : i1 to i32
      %sign3A_38 = arith.constant 0 : i32
      %sign3A_39 = arith.cmpi slt, %jit3A, %sign3A_38 : i32
      %sign3A_40 = arith.extui %sign3A_39 : i1 to i32
      %sign3A_41 = arith.subi %sign3A_37, %sign3A_40 : i32
      %ne3A = arith.cmpi ne, %sign3A_34, %sign3A_41 : i32
      %rem3A = arith.remsi %scan3A_27, %jit3A : i32
      %ne3A_42 = arith.constant 0 : i32
      %ne3A_43 = arith.cmpi ne, %rem3A, %ne3A_42 : i32
      %and3A = arith.andi %ne3A, %ne3A_43 : i1
      %sub3A = arith.constant 1 : i32
      %sub3A_44 = arith.subi %div3A, %sub3A : i32
      %select_n3A = arith.select %and3A, %sub3A_44, %div3A : i32
      %jit3A_45 = arith.constant 8 : i32
      %eq3A = arith.constant 0 : i32
      %eq3A_46 = arith.cmpi eq, %jit3A_45, %eq3A : i32
      %jit3A_47 = arith.constant 1 : i32
      %select_n3A_48 = arith.select %eq3A_46, %jit3A_47, %jit3A_45 : i32
      %rem3A_49 = arith.remsi %scan3A_27, %select_n3A_48 : i32
      %ne3A_50 = arith.constant 0 : i32
      %ne3A_51 = arith.cmpi ne, %rem3A_49, %ne3A_50 : i32
      %lt3A = arith.constant 0 : i32
      %lt3A_52 = arith.cmpi slt, %rem3A_49, %lt3A : i32
      %lt3A_53 = arith.constant 0 : i32
      %lt3A_54 = arith.cmpi slt, %select_n3A_48, %lt3A_53 : i32
      %ne3A_55 = arith.xori %lt3A_52, %lt3A_54 : i1
      %and3A_56 = arith.andi %ne3A_55, %ne3A_51 : i1
      %add3A_57 = arith.addi %rem3A_49, %select_n3A_48 : i32
      %select_n3A_58 = arith.select %and3A_56, %add3A_57, %rem3A_49 : i32
      %mul3A_59 = arith.constant 16 : i32
      %mul3A_60 = arith.muli %select_n3A_58, %mul3A_59 : i32
      %swap3A = arith.index_cast %select_n3A : i32 to index
      %swap3A_61 = arith.index_cast %mul3A_60 : i32 to index
      %swap3A_62 = tpu.vector_load %arg8[%swap3A, %swap3A_61] {strides = array<i32>} : memref<125x128xf32, #tpu.memory_space<vmem>>, vector<1x16xf32>,
      %swap3A_63 = vector.shape_cast %swap3A_62 : vector<1x16xf32> to vector<16xf32>
      %swap3A_64 = vector.shape_cast %broadcast_in_dim3A_28 : vector<16xf32> to vector<1x16xf32>
      tpu.vector_store %arg8[%swap3A, %swap3A_61], %swap3A_64 {strides = array<i32>} : memref<125x128xf32, #tpu.memory_space<vmem>>, vector<1x16xf32>,
    }
    %scan3A_7 = arith.constant 1000 : i32
    %add3A_8 = arith.constant 0 : i32
    %add3A_9 = arith.addi %mul3A_2, %add3A_8 : i32
    "tpu.region"() ({
      %run_scoped3A = tpu.sem_alloc : memref<!tpu.dma_semaphore, #tpu.memory_space<semaphore_mem>>
      %dma_start3A = arith.constant 0 : i32
      %dma_start3A_27 = tpu.memref_slice %arg9[%add3A_9, %dma_start3A] : memref<10240x128xf32, #tpu.memory_space<vmem_shared>> -> memref<125x128xf32, #tpu.memory_space<vmem_shared>>
      %dma_start3A_28 = arith.constant 0 : i32
      %dma_start3A_29 = tpu.memref_slice %arg9[%add3A_9, %dma_start3A_28] : memref<10240x128xf32, #tpu.memory_space<vmem_shared>> -> memref<125x128xf32, #tpu.memory_space<vmem_shared>>
      tpu.enqueue_dma source(%arg8 : memref<125x128xf32, #tpu.memory_space<vmem>>) target(%dma_start3A_29 : memref<125x128xf32, #tpu.memory_space<vmem_shared>>) target_semaphore(%run_scoped3A : memref<!tpu.dma_semaphore, #tpu.memory_space<semaphore_mem>>)
      %dma_wait3A = arith.constant 0 : i32
      %dma_wait3A_30 = tpu.memref_slice %arg9[%add3A_9, %dma_wait3A] : memref<10240x128xf32, #tpu.memory_space<vmem_shared>> -> memref<125x128xf32, #tpu.memory_space<vmem_shared>>
      %dma_wait3A_31 = arith.constant 0 : i32
      %dma_wait3A_32 = tpu.memref_slice %arg9[%add3A_9, %dma_wait3A_31] : memref<10240x128xf32, #tpu.memory_space<vmem_shared>> -> memref<125x128xf32, #tpu.memory_space<vmem_shared>>
      tpu.wait_dma2 semaphore(%run_scoped3A : memref<!tpu.dma_semaphore, #tpu.memory_space<semaphore_mem>>) src(%arg8 : memref<125x128xf32, #tpu.memory_space<vmem>>) dst(%dma_wait3A_32 : memref<125x128xf32, #tpu.memory_space<vmem_shared>>)
      tpu.yield
    }) : () -> ()
    %add3A_10 = arith.constant 125 : i32
    %add3A_11 = arith.addi %mul3A_2, %add3A_10 : i32
    "tpu.region"() ({
      %run_scoped3A = tpu.sem_alloc : memref<!tpu.dma_semaphore, #tpu.memory_space<semaphore_mem>>
      %dma_start3A = arith.constant 0 : i32
      %dma_start3A_27 = tpu.memref_slice %arg9[%add3A_11, %dma_start3A] : memref<10240x128xf32, #tpu.memory_space<vmem_shared>> -> memref<125x128xf32, #tpu.memory_space<vmem_shared>>
      %dma_start3A_28 = arith.constant 0 : i32
      %dma_start3A_29 = tpu.memref_slice %arg9[%add3A_11, %dma_start3A_28] : memref<10240x128xf32, #tpu.memory_space<vmem_shared>> -> memref<125x128xf32, #tpu.memory_space<vmem_shared>>
      tpu.enqueue_dma source(%arg8 : memref<125x128xf32, #tpu.memory_space<vmem>>) target(%dma_start3A_29 : memref<125x128xf32, #tpu.memory_space<vmem_shared>>) target_semaphore(%run_scoped3A : memref<!tpu.dma_semaphore, #tpu.memory_space<semaphore_mem>>)
      %dma_wait3A = arith.constant 0 : i32
      %dma_wait3A_30 = tpu.memref_slice %arg9[%add3A_11, %dma_wait3A] : memref<10240x128xf32, #tpu.memory_space<vmem_shared>> -> memref<125x128xf32, #tpu.memory_space<vmem_shared>>
      %dma_wait3A_31 = arith.constant 0 : i32
      %dma_wait3A_32 = tpu.memref_slice %arg9[%add3A_11, %dma_wait3A_31] : memref<10240x128xf32, #tpu.memory_space<vmem_shared>> -> memref<125x128xf32, #tpu.memory_space<vmem_shared>>
      tpu.wait_dma2 semaphore(%run_scoped3A : memref<!tpu.dma_semaphore, #tpu.memory_space<semaphore_mem>>) src(%arg8 : memref<125x128xf32, #tpu.memory_space<vmem>>) dst(%dma_wait3A_32 : memref<125x128xf32, #tpu.memory_space<vmem_shared>>)
      tpu.yield
    }) : () -> ()
    %add3A_12 = arith.constant 250 : i32
    %add3A_13 = arith.addi %mul3A_2, %add3A_12 : i32
    "tpu.region"() ({
      %run_scoped3A = tpu.sem_alloc : memref<!tpu.dma_semaphore, #tpu.memory_space<semaphore_mem>>
      %dma_start3A = arith.constant 0 : i32
      %dma_start3A_27 = tpu.memref_slice %arg9[%add3A_13, %dma_start3A] : memref<10240x128xf32, #tpu.memory_space<vmem_shared>> -> memref<125x128xf32, #tpu.memory_space<vmem_shared>>
      %dma_start3A_28 = arith.constant 0 : i32
      %dma_start3A_29 = tpu.memref_slice %arg9[%add3A_13, %dma_start3A_28] : memref<10240x128xf32, #tpu.memory_space<vmem_shared>> -> memref<125x128xf32, #tpu.memory_space<vmem_shared>>
      tpu.enqueue_dma source(%arg8 : memref<125x128xf32, #tpu.memory_space<vmem>>) target(%dma_start3A_29 : memref<125x128xf32, #tpu.memory_space<vmem_shared>>) target_semaphore(%run_scoped3A : memref<!tpu.dma_semaphore, #tpu.memory_space<semaphore_mem>>)
      %dma_wait3A = arith.constant 0 : i32
      %dma_wait3A_30 = tpu.memref_slice %arg9[%add3A_13, %dma_wait3A] : memref<10240x128xf32, #tpu.memory_space<vmem_shared>> -> memref<125x128xf32, #tpu.memory_space<vmem_shared>>
      %dma_wait3A_31 = arith.constant 0 : i32
      %dma_wait3A_32 = tpu.memref_slice %arg9[%add3A_13, %dma_wait3A_31] : memref<10240x128xf32, #tpu.memory_space<vmem_shared>> -> memref<125x128xf32, #tpu.memory_space<vmem_shared>>
      tpu.wait_dma2 semaphore(%run_scoped3A : memref<!tpu.dma_semaphore, #tpu.memory_space<semaphore_mem>>) src(%arg8 : memref<125x128xf32, #tpu.memory_space<vmem>>) dst(%dma_wait3A_32 : memref<125x128xf32, #tpu.memory_space<vmem_shared>>)
      tpu.yield
    }) : () -> ()
    %add3A_14 = arith.constant 375 : i32
    %add3A_15 = arith.addi %mul3A_2, %add3A_14 : i32
    "tpu.region"() ({
      %run_scoped3A = tpu.sem_alloc : memref<!tpu.dma_semaphore, #tpu.memory_space<semaphore_mem>>
      %dma_start3A = arith.constant 0 : i32
      %dma_start3A_27 = tpu.memref_slice %arg9[%add3A_15, %dma_start3A] : memref<10240x128xf32, #tpu.memory_space<vmem_shared>> -> memref<125x128xf32, #tpu.memory_space<vmem_shared>>
      %dma_start3A_28 = arith.constant 0 : i32
      %dma_start3A_29 = tpu.memref_slice %arg9[%add3A_15, %dma_start3A_28] : memref<10240x128xf32, #tpu.memory_space<vmem_shared>> -> memref<125x128xf32, #tpu.memory_space<vmem_shared>>
      tpu.enqueue_dma source(%arg8 : memref<125x128xf32, #tpu.memory_space<vmem>>) target(%dma_start3A_29 : memref<125x128xf32, #tpu.memory_space<vmem_shared>>) target_semaphore(%run_scoped3A : memref<!tpu.dma_semaphore, #tpu.memory_space<semaphore_mem>>)
      %dma_wait3A = arith.constant 0 : i32
      %dma_wait3A_30 = tpu.memref_slice %arg9[%add3A_15, %dma_wait3A] : memref<10240x128xf32, #tpu.memory_space<vmem_shared>> -> memref<125x128xf32, #tpu.memory_space<vmem_shared>>
      %dma_wait3A_31 = arith.constant 0 : i32
      %dma_wait3A_32 = tpu.memref_slice %arg9[%add3A_15, %dma_wait3A_31] : memref<10240x128xf32, #tpu.memory_space<vmem_shared>> -> memref<125x128xf32, #tpu.memory_space<vmem_shared>>
      tpu.wait_dma2 semaphore(%run_scoped3A : memref<!tpu.dma_semaphore, #tpu.memory_space<semaphore_mem>>) src(%arg8 : memref<125x128xf32, #tpu.memory_space<vmem>>) dst(%dma_wait3A_32 : memref<125x128xf32, #tpu.memory_space<vmem_shared>>)
      tpu.yield
    }) : () -> ()
    %add3A_16 = arith.constant 500 : i32
    %add3A_17 = arith.addi %mul3A_2, %add3A_16 : i32
    "tpu.region"() ({
      %run_scoped3A = tpu.sem_alloc : memref<!tpu.dma_semaphore, #tpu.memory_space<semaphore_mem>>
      %dma_start3A = arith.constant 0 : i32
      %dma_start3A_27 = tpu.memref_slice %arg9[%add3A_17, %dma_start3A] : memref<10240x128xf32, #tpu.memory_space<vmem_shared>> -> memref<125x128xf32, #tpu.memory_space<vmem_shared>>
      %dma_start3A_28 = arith.constant 0 : i32
      %dma_start3A_29 = tpu.memref_slice %arg9[%add3A_17, %dma_start3A_28] : memref<10240x128xf32, #tpu.memory_space<vmem_shared>> -> memref<125x128xf32, #tpu.memory_space<vmem_shared>>
      tpu.enqueue_dma source(%arg8 : memref<125x128xf32, #tpu.memory_space<vmem>>) target(%dma_start3A_29 : memref<125x128xf32, #tpu.memory_space<vmem_shared>>) target_semaphore(%run_scoped3A : memref<!tpu.dma_semaphore, #tpu.memory_space<semaphore_mem>>)
      %dma_wait3A = arith.constant 0 : i32
      %dma_wait3A_30 = tpu.memref_slice %arg9[%add3A_17, %dma_wait3A] : memref<10240x128xf32, #tpu.memory_space<vmem_shared>> -> memref<125x128xf32, #tpu.memory_space<vmem_shared>>
      %dma_wait3A_31 = arith.constant 0 : i32
      %dma_wait3A_32 = tpu.memref_slice %arg9[%add3A_17, %dma_wait3A_31] : memref<10240x128xf32, #tpu.memory_space<vmem_shared>> -> memref<125x128xf32, #tpu.memory_space<vmem_shared>>
      tpu.wait_dma2 semaphore(%run_scoped3A : memref<!tpu.dma_semaphore, #tpu.memory_space<semaphore_mem>>) src(%arg8 : memref<125x128xf32, #tpu.memory_space<vmem>>) dst(%dma_wait3A_32 : memref<125x128xf32, #tpu.memory_space<vmem_shared>>)
      tpu.yield
    }) : () -> ()
    %add3A_18 = arith.constant 625 : i32
    %add3A_19 = arith.addi %mul3A_2, %add3A_18 : i32
    "tpu.region"() ({
      %run_scoped3A = tpu.sem_alloc : memref<!tpu.dma_semaphore, #tpu.memory_space<semaphore_mem>>
      %dma_start3A = arith.constant 0 : i32
      %dma_start3A_27 = arith.constant 0 : i32
      %dma_start3A_28 = tpu.memref_slice %arg8[%dma_start3A, %dma_start3A_27] : memref<125x128xf32, #tpu.memory_space<vmem>> -> memref<15x128xf32, #tpu.memory_space<vmem>>
      %dma_start3A_29 = arith.constant 0 : i32
      %dma_start3A_30 = tpu.memref_slice %arg9[%add3A_19, %dma_start3A_29] : memref<10240x128xf32, #tpu.memory_space<vmem_shared>> -> memref<15x128xf32, #tpu.memory_space<vmem_shared>>
      %dma_start3A_31 = arith.constant 0 : i32
      %dma_start3A_32 = tpu.memref_slice %arg9[%add3A_19, %dma_start3A_31] : memref<10240x128xf32, #tpu.memory_space<vmem_shared>> -> memref<15x128xf32, #tpu.memory_space<vmem_shared>>
      %dma_start3A_33 = arith.constant 0 : i32
      %dma_start3A_34 = arith.constant 0 : i32
      %dma_start3A_35 = tpu.memref_slice %arg8[%dma_start3A_33, %dma_start3A_34] : memref<125x128xf32, #tpu.memory_space<vmem>> -> memref<15x128xf32, #tpu.memory_space<vmem>>
      tpu.enqueue_dma source(%dma_start3A_35 : memref<15x128xf32, #tpu.memory_space<vmem>>) target(%dma_start3A_32 : memref<15x128xf32, #tpu.memory_space<vmem_shared>>) target_semaphore(%run_scoped3A : memref<!tpu.dma_semaphore, #tpu.memory_space<semaphore_mem>>)
      %dma_wait3A = arith.constant 0 : i32
      %dma_wait3A_36 = arith.constant 0 : i32
      %dma_wait3A_37 = tpu.memref_slice %arg8[%dma_wait3A, %dma_wait3A_36] : memref<125x128xf32, #tpu.memory_space<vmem>> -> memref<15x128xf32, #tpu.memory_space<vmem>>
      %dma_wait3A_38 = arith.constant 0 : i32
      %dma_wait3A_39 = tpu.memref_slice %arg9[%add3A_19, %dma_wait3A_38] : memref<10240x128xf32, #tpu.memory_space<vmem_shared>> -> memref<15x128xf32, #tpu.memory_space<vmem_shared>>
      %dma_wait3A_40 = arith.constant 0 : i32
      %dma_wait3A_41 = tpu.memref_slice %arg9[%add3A_19, %dma_wait3A_40] : memref<10240x128xf32, #tpu.memory_space<vmem_shared>> -> memref<15x128xf32, #tpu.memory_space<vmem_shared>>
      %dma_wait3A_42 = arith.constant 0 : i32
      %dma_wait3A_43 = arith.constant 0 : i32
      %dma_wait3A_44 = tpu.memref_slice %arg8[%dma_wait3A_42, %dma_wait3A_43] : memref<125x128xf32, #tpu.memory_space<vmem>> -> memref<15x128xf32, #tpu.memory_space<vmem>>
      tpu.wait_dma2 semaphore(%run_scoped3A : memref<!tpu.dma_semaphore, #tpu.memory_space<semaphore_mem>>) src(%dma_wait3A_44 : memref<15x128xf32, #tpu.memory_space<vmem>>) dst(%dma_wait3A_41 : memref<15x128xf32, #tpu.memory_space<vmem_shared>>)
      tpu.yield
    }) : () -> ()
    %barrier3A = arith.constant 0 : index
    tpu.barrier barrier_id(%barrier3A)
    "tpu.region"() ({
      %run_scoped3A = tpu.sem_alloc : memref<!tpu.dma_semaphore, #tpu.memory_space<semaphore_mem>>
      %dma_start3A = arith.constant 0 : i32
      %dma_start3A_27 = arith.constant 0 : i32
      %dma_start3A_28 = tpu.memref_slice %arg3[%add3A, %dma_start3A, %dma_start3A_27] : memref<32x80x125xi32, #tpu.memory_space<hbm>> -> memref<1x80x125xi32, #tpu.memory_space<hbm>>
      %dma_start3A_29 = tpu.memref_squeeze %dma_start3A_28 : memref<1x80x125xi32, #tpu.memory_space<hbm>> -> memref<80x125xi32, #tpu.memory_space<hbm>>
      %dma_start3A_30 = arith.constant 0 : i32
      %dma_start3A_31 = arith.constant 0 : i32
      %dma_start3A_32 = tpu.memref_slice %arg3[%add3A, %dma_start3A_30, %dma_start3A_31] : memref<32x80x125xi32, #tpu.memory_space<hbm>> -> memref<1x80x125xi32, #tpu.memory_space<hbm>>
      %dma_start3A_33 = tpu.memref_squeeze %dma_start3A_32 : memref<1x80x125xi32, #tpu.memory_space<hbm>> -> memref<80x125xi32, #tpu.memory_space<hbm>>
      tpu.enqueue_dma source(%dma_start3A_33 : memref<80x125xi32, #tpu.memory_space<hbm>>) target(%arg6 : memref<80x125xi32, #tpu.memory_space<vmem>>) target_semaphore(%run_scoped3A : memref<!tpu.dma_semaphore, #tpu.memory_space<semaphore_mem>>)
      %dma_wait3A = arith.constant 0 : i32
      %dma_wait3A_34 = arith.constant 0 : i32
      %dma_wait3A_35 = tpu.memref_slice %arg3[%add3A, %dma_wait3A, %dma_wait3A_34] : memref<32x80x125xi32, #tpu.memory_space<hbm>> -> memref<1x80x125xi32, #tpu.memory_space<hbm>>
      %dma_wait3A_36 = tpu.memref_squeeze %dma_wait3A_35 : memref<1x80x125xi32, #tpu.memory_space<hbm>> -> memref<80x125xi32, #tpu.memory_space<hbm>>
      %dma_wait3A_37 = arith.constant 0 : i32
      %dma_wait3A_38 = arith.constant 0 : i32
      %dma_wait3A_39 = tpu.memref_slice %arg3[%add3A, %dma_wait3A_37, %dma_wait3A_38] : memref<32x80x125xi32, #tpu.memory_space<hbm>> -> memref<1x80x125xi32, #tpu.memory_space<hbm>>
      %dma_wait3A_40 = tpu.memref_squeeze %dma_wait3A_39 : memref<1x80x125xi32, #tpu.memory_space<hbm>> -> memref<80x125xi32, #tpu.memory_space<hbm>>
      tpu.wait_dma2 semaphore(%run_scoped3A : memref<!tpu.dma_semaphore, #tpu.memory_space<semaphore_mem>>) src(%dma_wait3A_40 : memref<80x125xi32, #tpu.memory_space<hbm>>) dst(%arg6 : memref<80x125xi32, #tpu.memory_space<vmem>>)
      tpu.yield
    }) : () -> ()
    "tpu.region"() ({
      %run_scoped3A = tpu.sem_alloc : memref<!tpu.dma_semaphore, #tpu.memory_space<semaphore_mem>>
      %dma_start3A = arith.constant 0 : i32
      %dma_start3A_27 = arith.constant 0 : i32
      %dma_start3A_28 = tpu.memref_slice %arg4[%add3A, %dma_start3A, %dma_start3A_27] : memref<32x80x125xi32, #tpu.memory_space<hbm>> -> memref<1x80x125xi32, #tpu.memory_space<hbm>>
      %dma_start3A_29 = tpu.memref_squeeze %dma_start3A_28 : memref<1x80x125xi32, #tpu.memory_space<hbm>> -> memref<80x125xi32, #tpu.memory_space<hbm>>
      %dma_start3A_30 = arith.constant 0 : i32
      %dma_start3A_31 = arith.constant 0 : i32
      %dma_start3A_32 = tpu.memref_slice %arg4[%add3A, %dma_start3A_30, %dma_start3A_31] : memref<32x80x125xi32, #tpu.memory_space<hbm>> -> memref<1x80x125xi32, #tpu.memory_space<hbm>>
      %dma_start3A_33 = tpu.memref_squeeze %dma_start3A_32 : memref<1x80x125xi32, #tpu.memory_space<hbm>> -> memref<80x125xi32, #tpu.memory_space<hbm>>
      tpu.enqueue_dma source(%dma_start3A_33 : memref<80x125xi32, #tpu.memory_space<hbm>>) target(%arg7 : memref<80x125xi32, #tpu.memory_space<vmem>>) target_semaphore(%run_scoped3A : memref<!tpu.dma_semaphore, #tpu.memory_space<semaphore_mem>>)
      %dma_wait3A = arith.constant 0 : i32
      %dma_wait3A_34 = arith.constant 0 : i32
      %dma_wait3A_35 = tpu.memref_slice %arg4[%add3A, %dma_wait3A, %dma_wait3A_34] : memref<32x80x125xi32, #tpu.memory_space<hbm>> -> memref<1x80x125xi32, #tpu.memory_space<hbm>>
      %dma_wait3A_36 = tpu.memref_squeeze %dma_wait3A_35 : memref<1x80x125xi32, #tpu.memory_space<hbm>> -> memref<80x125xi32, #tpu.memory_space<hbm>>
      %dma_wait3A_37 = arith.constant 0 : i32
      %dma_wait3A_38 = arith.constant 0 : i32
      %dma_wait3A_39 = tpu.memref_slice %arg4[%add3A, %dma_wait3A_37, %dma_wait3A_38] : memref<32x80x125xi32, #tpu.memory_space<hbm>> -> memref<1x80x125xi32, #tpu.memory_space<hbm>>
      %dma_wait3A_40 = tpu.memref_squeeze %dma_wait3A_39 : memref<1x80x125xi32, #tpu.memory_space<hbm>> -> memref<80x125xi32, #tpu.memory_space<hbm>>
      tpu.wait_dma2 semaphore(%run_scoped3A : memref<!tpu.dma_semaphore, #tpu.memory_space<semaphore_mem>>) src(%dma_wait3A_40 : memref<80x125xi32, #tpu.memory_space<hbm>>) dst(%arg7 : memref<80x125xi32, #tpu.memory_space<vmem>>)
      tpu.yield
    }) : () -> ()
    %scan3A_20 = arith.constant 0 : i32
    %scan3A_21 = arith.constant 0 : i32
    %scan3A_22 = arith.constant 80 : i32
    %scan3A_23 = arith.addi %scan3A_21, %scan3A_22 : i32
    %scan3A_24 = arith.constant 1 : i32
    scf.for %scan3A_27 = %scan3A_21 to %scan3A_23 step %scan3A_24  : i32 {
      "tpu.region"() ({
        %run_scoped3A = tpu.sem_alloc : memref<!tpu.dma_semaphore, #tpu.memory_space<semaphore_mem>>
        %dma_start3A = arith.constant 0 : i32
        %dma_start3A_28 = tpu.memref_slice %arg6[%scan3A_27, %dma_start3A] : memref<80x125xi32, #tpu.memory_space<vmem>> -> memref<1x125xi32, #tpu.memory_space<vmem>>
        %dma_start3A_29 = tpu.memref_squeeze %dma_start3A_28 : memref<1x125xi32, #tpu.memory_space<vmem>> -> memref<125xi32, #tpu.memory_space<vmem>>
        %dma_start3A_30 = arith.constant 0 : i32
        %dma_start3A_31 = arith.constant 0 : i32
        %dma_start3A_32 = tpu.memref_slice %arg2[%dma_start3A_30, %dma_start3A_31] : memref<10000x128xf32, #tpu.memory_space<hbm>> -> memref<10000x128xf32, #tpu.memory_space<hbm>>
        tpu.enqueue_indirect_dma source(%dma_start3A_32 : memref<10000x128xf32, #tpu.memory_space<hbm>>) target(%arg8 : memref<125x128xf32, #tpu.memory_space<vmem>>) offsets(%dma_start3A_29 : memref<125xi32, #tpu.memory_space<vmem>>) semaphore(%run_scoped3A : memref<!tpu.dma_semaphore, #tpu.memory_space<semaphore_mem>>)
        %dma_wait3A = arith.constant 0 : i32
        %dma_wait3A_33 = tpu.memref_slice %arg6[%scan3A_27, %dma_wait3A] : memref<80x125xi32, #tpu.memory_space<vmem>> -> memref<1x125xi32, #tpu.memory_space<vmem>>
        %dma_wait3A_34 = tpu.memref_squeeze %dma_wait3A_33 : memref<1x125xi32, #tpu.memory_space<vmem>> -> memref<125xi32, #tpu.memory_space<vmem>>
        %dma_wait3A_35 = arith.constant 0 : i32
        %dma_wait3A_36 = arith.constant 0 : i32
        %dma_wait3A_37 = tpu.memref_slice %arg2[%dma_wait3A_35, %dma_wait3A_36] : memref<10000x128xf32, #tpu.memory_space<hbm>> -> memref<10000x128xf32, #tpu.memory_space<hbm>>
        tpu.wait_indirect_dma semaphore(%run_scoped3A : memref<!tpu.dma_semaphore, #tpu.memory_space<semaphore_mem>>) src(%dma_wait3A_37 : memref<10000x128xf32, #tpu.memory_space<hbm>>) dst(%arg8 : memref<125x128xf32, #tpu.memory_space<vmem>>)
        tpu.yield
      }) : () -> ()
      "tpu.region"() ({
        %run_scoped3A = tpu.sem_alloc : memref<!tpu.dma_semaphore, #tpu.memory_space<semaphore_mem>>
        %dma_start3A = arith.constant 0 : i32
        %dma_start3A_28 = tpu.memref_slice %arg7[%scan3A_27, %dma_start3A] : memref<80x125xi32, #tpu.memory_space<vmem>> -> memref<1x125xi32, #tpu.memory_space<vmem>>
        %dma_start3A_29 = tpu.memref_squeeze %dma_start3A_28 : memref<1x125xi32, #tpu.memory_space<vmem>> -> memref<125xi32, #tpu.memory_space<vmem>>
        %dma_start3A_30 = arith.constant 0 : i32
        %dma_start3A_31 = arith.constant 0 : i32
        %dma_start3A_32 = tpu.memref_slice %arg9[%dma_start3A_30, %dma_start3A_31] : memref<10240x128xf32, #tpu.memory_space<vmem_shared>> -> memref<10240x128xf32, #tpu.memory_space<vmem_shared>>
        tpu.enqueue_indirect_dma source(%arg8 : memref<125x128xf32, #tpu.memory_space<vmem>>) target(%dma_start3A_32 : memref<10240x128xf32, #tpu.memory_space<vmem_shared>>) offsets(%dma_start3A_29 : memref<125xi32, #tpu.memory_space<vmem>>) semaphore(%run_scoped3A : memref<!tpu.dma_semaphore, #tpu.memory_space<semaphore_mem>>) {add = true}
        %dma_wait3A = arith.constant 0 : i32
        %dma_wait3A_33 = tpu.memref_slice %arg7[%scan3A_27, %dma_wait3A] : memref<80x125xi32, #tpu.memory_space<vmem>> -> memref<1x125xi32, #tpu.memory_space<vmem>>
        %dma_wait3A_34 = tpu.memref_squeeze %dma_wait3A_33 : memref<1x125xi32, #tpu.memory_space<vmem>> -> memref<125xi32, #tpu.memory_space<vmem>>
        %dma_wait3A_35 = arith.constant 0 : i32
        %dma_wait3A_36 = arith.constant 0 : i32
        %dma_wait3A_37 = tpu.memref_slice %arg9[%dma_wait3A_35, %dma_wait3A_36] : memref<10240x128xf32, #tpu.memory_space<vmem_shared>> -> memref<10240x128xf32, #tpu.memory_space<vmem_shared>>
        tpu.wait_indirect_dma semaphore(%run_scoped3A : memref<!tpu.dma_semaphore, #tpu.memory_space<semaphore_mem>>) src(%arg8 : memref<125x128xf32, #tpu.memory_space<vmem>>) dst(%dma_wait3A_37 : memref<10240x128xf32, #tpu.memory_space<vmem_shared>>)
        tpu.yield
      }) : () -> ()
    }
    %scan3A_25 = arith.constant 80 : i32
    %barrier3A_26 = arith.constant 0 : index
    tpu.barrier barrier_id(%barrier3A_26)
    "tpu.region"() ({
      %run_scoped3A = tpu.sem_alloc : memref<!tpu.dma_semaphore, #tpu.memory_space<semaphore_mem>>
      %dma_start3A = arith.constant 0 : i32
      %dma_start3A_27 = tpu.memref_slice %arg5[%arg0, %mul3A_2, %dma_start3A] : memref<2x10240x128xf32, #tpu.memory_space<hbm>> -> memref<1x640x128xf32, #tpu.memory_space<hbm>>
      %dma_start3A_28 = tpu.memref_squeeze %dma_start3A_27 : memref<1x640x128xf32, #tpu.memory_space<hbm>> -> memref<640x128xf32, #tpu.memory_space<hbm>>
      %dma_start3A_29 = arith.constant 0 : i32
      %dma_start3A_30 = tpu.memref_slice %arg9[%mul3A_2, %dma_start3A_29] : memref<10240x128xf32, #tpu.memory_space<vmem_shared>> -> memref<640x128xf32, #tpu.memory_space<vmem_shared>>
      tpu.enqueue_dma source(%dma_start3A_30 : memref<640x128xf32, #tpu.memory_space<vmem_shared>>) target(%dma_start3A_28 : memref<640x128xf32, #tpu.memory_space<hbm>>) target_semaphore(%run_scoped3A : memref<!tpu.dma_semaphore, #tpu.memory_space<semaphore_mem>>)
      %dma_wait3A = arith.constant 0 : i32
      %dma_wait3A_31 = tpu.memref_slice %arg5[%arg0, %mul3A_2, %dma_wait3A] : memref<2x10240x128xf32, #tpu.memory_space<hbm>> -> memref<1x640x128xf32, #tpu.memory_space<hbm>>
      %dma_wait3A_32 = tpu.memref_squeeze %dma_wait3A_31 : memref<1x640x128xf32, #tpu.memory_space<hbm>> -> memref<640x128xf32, #tpu.memory_space<hbm>>
      %dma_wait3A_33 = arith.constant 0 : i32
      %dma_wait3A_34 = tpu.memref_slice %arg9[%mul3A_2, %dma_wait3A_33] : memref<10240x128xf32, #tpu.memory_space<vmem_shared>> -> memref<640x128xf32, #tpu.memory_space<vmem_shared>>
      tpu.wait_dma2 semaphore(%run_scoped3A : memref<!tpu.dma_semaphore, #tpu.memory_space<semaphore_mem>>) src(%dma_wait3A_34 : memref<640x128xf32, #tpu.memory_space<vmem_shared>>) dst(%dma_wait3A_32 : memref<640x128xf32, #tpu.memory_space<hbm>>)
      tpu.yield
    }) : () -> ()
    return
  }
}

module attributes {stable_mosaic.version = 14 : i64} {
  func.func @_dense_body(%arg0: i32, %arg1: memref<2000x128xf32, #tpu.memory_space<vmem>>, %arg2: memref<2x2000x128xf32, #tpu.memory_space<vmem>>, %arg3: memref<2x2000x1xf32, #tpu.memory_space<vmem>>, %arg4: memref<128x128xf32, #tpu.memory_space<vmem>>, %arg5: memref<128x128xf32, #tpu.memory_space<vmem>>, %arg6: memref<1x128xf32, #tpu.memory_space<vmem>>, %arg7: memref<2000x128xf32, #tpu.memory_space<vmem>>) attributes {dimension_semantics = [#tpu.dimension_semantics<arbitrary>], iteration_bounds = array<i64: 5>, scalar_prefetch = 0 : i64, scratch_operands = 0 : i64, tpu.core_type = #tpu.core_type<tc>, window_params = [{transform_indices = @transform_0, window_bounds = array<i64: 2000, 128>}, {transform_indices = @transform_1, window_bounds = array<i64: 2, 2000, 128>}, {transform_indices = @transform_2, window_bounds = array<i64: 2, 2000, 1>}, {pipeline_mode = #tpu.pipeline_mode<synchronous>, transform_indices = @transform_3, window_bounds = array<i64: 128, 128>}, {pipeline_mode = #tpu.pipeline_mode<synchronous>, transform_indices = @transform_4, window_bounds = array<i64: 128, 128>}, {pipeline_mode = #tpu.pipeline_mode<synchronous>, transform_indices = @transform_5, window_bounds = array<i64: 1, 128>}, {transform_indices = @transform_6, window_bounds = array<i64: 2000, 128>}]} {
    %get3A = arith.constant 0 : index
    %get3A_0 = arith.constant 0 : index
    %get3A_1 = arith.constant 0 : index
    %get3A_2 = vector.load %arg3[%get3A, %get3A_0, %get3A_1] : memref<2x2000x1xf32, #tpu.memory_space<vmem>>, vector<1x2000x1xf32>
    %get3A_3 = vector.shape_cast %get3A_2 : vector<1x2000x1xf32> to vector<2000x1xf32>
    %get3A_4 = arith.constant 1 : index
    %get3A_5 = arith.constant 0 : index
    %get3A_6 = arith.constant 0 : index
    %get3A_7 = vector.load %arg3[%get3A_4, %get3A_5, %get3A_6] : memref<2x2000x1xf32, #tpu.memory_space<vmem>>, vector<1x2000x1xf32>
    %get3A_8 = vector.shape_cast %get3A_7 : vector<1x2000x1xf32> to vector<2000x1xf32>
    %add3A = arith.addf %get3A_3, %get3A_8 : vector<2000x1xf32>
    %max3A = arith.constant 1.000000e+00 : f32
    %max3A_9 = vector.broadcast %max3A : f32 to vector<2000x1xf32>
    %max3A_10 = arith.maximumf %add3A, %max3A_9 : vector<2000x1xf32>
    %get3A_11 = arith.constant 0 : index
    %get3A_12 = arith.constant 0 : index
    %get3A_13 = arith.constant 0 : index
    %get3A_14 = vector.load %arg2[%get3A_11, %get3A_12, %get3A_13] : memref<2x2000x128xf32, #tpu.memory_space<vmem>>, vector<1x2000x128xf32>
    %get3A_15 = vector.shape_cast %get3A_14 : vector<1x2000x128xf32> to vector<2000x128xf32>
    %get3A_16 = arith.constant 1 : index
    %get3A_17 = arith.constant 0 : index
    %get3A_18 = arith.constant 0 : index
    %get3A_19 = vector.load %arg2[%get3A_16, %get3A_17, %get3A_18] : memref<2x2000x128xf32, #tpu.memory_space<vmem>>, vector<1x2000x128xf32>
    %get3A_20 = vector.shape_cast %get3A_19 : vector<1x2000x128xf32> to vector<2000x128xf32>
    %add3A_21 = arith.addf %get3A_15, %get3A_20 : vector<2000x128xf32>
    %div3A = vector.broadcast %max3A_10 : vector<2000x1xf32> to vector<2000x128xf32>
    %div3A_22 = arith.divf %add3A_21, %div3A : vector<2000x128xf32>
    %get3A_23 = arith.constant 0 : index
    %get3A_24 = arith.constant 0 : index
    %get3A_25 = vector.load %arg1[%get3A_23, %get3A_24] : memref<2000x128xf32, #tpu.memory_space<vmem>>, vector<2000x128xf32>
    %get3A_26 = arith.constant 0 : index
    %get3A_27 = arith.constant 0 : index
    %get3A_28 = vector.load %arg4[%get3A_26, %get3A_27] : memref<128x128xf32, #tpu.memory_space<vmem>>, vector<128x128xf32>
    %dot_general3A = arith.constant dense<0.000000e+00> : vector<2000x128xf32>
    %dot_general3A_29 = tpu.matmul %get3A_25, %get3A_28, %dot_general3A {dimension_numbers = #tpu.dot_dimension_numbers<[1], [0], [0], [1], [0, 0, 1, 1], [], []>, transpose_lhs_hint = false} : vector<2000x128xf32>, vector<128x128xf32>, vector<2000x128xf32> -> vector<2000x128xf32>
    %get3A_30 = arith.constant 0 : index
    %get3A_31 = arith.constant 0 : index
    %get3A_32 = vector.load %arg5[%get3A_30, %get3A_31] : memref<128x128xf32, #tpu.memory_space<vmem>>, vector<128x128xf32>
    %dot_general3A_33 = arith.constant dense<0.000000e+00> : vector<2000x128xf32>
    %dot_general3A_34 = tpu.matmul %div3A_22, %get3A_32, %dot_general3A_33 {dimension_numbers = #tpu.dot_dimension_numbers<[1], [0], [0], [1], [0, 0, 1, 1], [], []>, transpose_lhs_hint = false} : vector<2000x128xf32>, vector<128x128xf32>, vector<2000x128xf32> -> vector<2000x128xf32>
    %add3A_35 = arith.addf %dot_general3A_29, %dot_general3A_34 : vector<2000x128xf32>
    %get3A_36 = arith.constant 0 : index
    %get3A_37 = arith.constant 0 : index
    %get3A_38 = vector.load %arg6[%get3A_36, %get3A_37] : memref<1x128xf32, #tpu.memory_space<vmem>>, vector<1x128xf32>
    %add3A_39 = vector.broadcast %get3A_38 : vector<1x128xf32> to vector<2000x128xf32>
    %add3A_40 = arith.addf %add3A_35, %add3A_39 : vector<2000x128xf32>
    %mul3A = arith.mulf %add3A_40, %add3A_40 : vector<2000x128xf32>
    %reduce_sum3A = arith.constant dense<0.000000e+00> : vector<2000xf32>
    %reduce_sum3A_41 = vector.multi_reduction <add>, %mul3A, %reduce_sum3A [1] : vector<2000x128xf32> to vector<2000xf32>
    %broadcast_in_dim3A = vector.shape_cast %reduce_sum3A_41 : vector<2000xf32> to vector<2000x1xf32>
    %sqrt3A = math.sqrt %broadcast_in_dim3A : vector<2000x1xf32>
    %add3A_42 = arith.constant 9.99999993E-9 : f32
    %add3A_43 = vector.broadcast %add3A_42 : f32 to vector<2000x1xf32>
    %add3A_44 = arith.addf %sqrt3A, %add3A_43 : vector<2000x1xf32>
    %div3A_45 = vector.broadcast %add3A_44 : vector<2000x1xf32> to vector<2000x128xf32>
    %div3A_46 = arith.divf %add3A_40, %div3A_45 : vector<2000x128xf32>
    %max3A_47 = arith.constant 0.000000e+00 : f32
    %max3A_48 = vector.broadcast %max3A_47 : f32 to vector<2000x128xf32>
    %max3A_49 = arith.maximumf %div3A_46, %max3A_48 : vector<2000x128xf32>
    %swap3A = arith.constant 0 : index
    %swap3A_50 = arith.constant 0 : index
    %swap3A_51 = vector.load %arg7[%swap3A, %swap3A_50] : memref<2000x128xf32, #tpu.memory_space<vmem>>, vector<2000x128xf32>
    tpu.vector_store %arg7[%swap3A, %swap3A_50], %max3A_49 {strides = array<i32>} : memref<2000x128xf32, #tpu.memory_space<vmem>>, vector<2000x128xf32>,
    return
  }
  func.func @transform_0(%arg0: i32) -> (i32, i32) {
    %c0_i32 = arith.constant 0 : i32
    %c0_i32_0 = arith.constant 0 : i32
    return %arg0, %c0_i32 : i32, i32
  }
  func.func @transform_1(%arg0: i32) -> (i32, i32, i32) {
    %c0_i32 = arith.constant 0 : i32
    %c0_i32_0 = arith.constant 0 : i32
    %c0_i32_1 = arith.constant 0 : i32
    return %c0_i32, %arg0, %c0_i32_0 : i32, i32, i32
  }
  func.func @transform_2(%arg0: i32) -> (i32, i32, i32) {
    %c0_i32 = arith.constant 0 : i32
    %c0_i32_0 = arith.constant 0 : i32
    %c0_i32_1 = arith.constant 0 : i32
    return %c0_i32, %arg0, %c0_i32_0 : i32, i32, i32
  }
  func.func @transform_3(%arg0: i32) -> (i32, i32) {
    %c0_i32 = arith.constant 0 : i32
    %c0_i32_0 = arith.constant 0 : i32
    %c0_i32_1 = arith.constant 0 : i32
    return %c0_i32, %c0_i32_0 : i32, i32
  }
  func.func @transform_4(%arg0: i32) -> (i32, i32) {
    %c0_i32 = arith.constant 0 : i32
    %c0_i32_0 = arith.constant 0 : i32
    %c0_i32_1 = arith.constant 0 : i32
    return %c0_i32, %c0_i32_0 : i32, i32
  }
  func.func @transform_5(%arg0: i32) -> (i32, i32) {
    %c0_i32 = arith.constant 0 : i32
    %c0_i32_0 = arith.constant 0 : i32
    %c0_i32_1 = arith.constant 0 : i32
    return %c0_i32, %c0_i32_0 : i32, i32
  }
  func.func @transform_6(%arg0: i32) -> (i32, i32) {
    %c0_i32 = arith.constant 0 : i32
    %c0_i32_0 = arith.constant 0 : i32
    return %arg0, %c0_i32 : i32, i32
  }
}

module attributes {stable_mosaic.version = 14 : i64} {
  func.func @_dense_body(%arg0: i32, %arg1: memref<2000x128xf32, #tpu.memory_space<vmem>>, %arg2: memref<2x2000x128xf32, #tpu.memory_space<vmem>>, %arg3: memref<2x2000x1xf32, #tpu.memory_space<vmem>>, %arg4: memref<128x128xf32, #tpu.memory_space<vmem>>, %arg5: memref<128x128xf32, #tpu.memory_space<vmem>>, %arg6: memref<1x128xf32, #tpu.memory_space<vmem>>, %arg7: memref<2000x128xf32, #tpu.memory_space<vmem>>) attributes {dimension_semantics = [#tpu.dimension_semantics<arbitrary>], iteration_bounds = array<i64: 5>, scalar_prefetch = 0 : i64, scratch_operands = 0 : i64, tpu.core_type = #tpu.core_type<tc>, window_params = [{transform_indices = @transform_0, window_bounds = array<i64: 2000, 128>}, {transform_indices = @transform_1, window_bounds = array<i64: 2, 2000, 128>}, {transform_indices = @transform_2, window_bounds = array<i64: 2, 2000, 1>}, {pipeline_mode = #tpu.pipeline_mode<synchronous>, transform_indices = @transform_3, window_bounds = array<i64: 128, 128>}, {pipeline_mode = #tpu.pipeline_mode<synchronous>, transform_indices = @transform_4, window_bounds = array<i64: 128, 128>}, {pipeline_mode = #tpu.pipeline_mode<synchronous>, transform_indices = @transform_5, window_bounds = array<i64: 1, 128>}, {transform_indices = @transform_6, window_bounds = array<i64: 2000, 128>}]} {
    %get3A = arith.constant 0 : index
    %get3A_0 = arith.constant 0 : index
    %get3A_1 = arith.constant 0 : index
    %get3A_2 = vector.load %arg3[%get3A, %get3A_0, %get3A_1] : memref<2x2000x1xf32, #tpu.memory_space<vmem>>, vector<1x2000x1xf32>
    %get3A_3 = vector.shape_cast %get3A_2 : vector<1x2000x1xf32> to vector<2000x1xf32>
    %get3A_4 = arith.constant 1 : index
    %get3A_5 = arith.constant 0 : index
    %get3A_6 = arith.constant 0 : index
    %get3A_7 = vector.load %arg3[%get3A_4, %get3A_5, %get3A_6] : memref<2x2000x1xf32, #tpu.memory_space<vmem>>, vector<1x2000x1xf32>
    %get3A_8 = vector.shape_cast %get3A_7 : vector<1x2000x1xf32> to vector<2000x1xf32>
    %add3A = arith.addf %get3A_3, %get3A_8 : vector<2000x1xf32>
    %max3A = arith.constant 1.000000e+00 : f32
    %max3A_9 = vector.broadcast %max3A : f32 to vector<2000x1xf32>
    %max3A_10 = arith.maximumf %add3A, %max3A_9 : vector<2000x1xf32>
    %get3A_11 = arith.constant 0 : index
    %get3A_12 = arith.constant 0 : index
    %get3A_13 = arith.constant 0 : index
    %get3A_14 = vector.load %arg2[%get3A_11, %get3A_12, %get3A_13] : memref<2x2000x128xf32, #tpu.memory_space<vmem>>, vector<1x2000x128xf32>
    %get3A_15 = vector.shape_cast %get3A_14 : vector<1x2000x128xf32> to vector<2000x128xf32>
    %get3A_16 = arith.constant 1 : index
    %get3A_17 = arith.constant 0 : index
    %get3A_18 = arith.constant 0 : index
    %get3A_19 = vector.load %arg2[%get3A_16, %get3A_17, %get3A_18] : memref<2x2000x128xf32, #tpu.memory_space<vmem>>, vector<1x2000x128xf32>
    %get3A_20 = vector.shape_cast %get3A_19 : vector<1x2000x128xf32> to vector<2000x128xf32>
    %add3A_21 = arith.addf %get3A_15, %get3A_20 : vector<2000x128xf32>
    %div3A = vector.broadcast %max3A_10 : vector<2000x1xf32> to vector<2000x128xf32>
    %div3A_22 = arith.divf %add3A_21, %div3A : vector<2000x128xf32>
    %get3A_23 = arith.constant 0 : index
    %get3A_24 = arith.constant 0 : index
    %get3A_25 = vector.load %arg1[%get3A_23, %get3A_24] : memref<2000x128xf32, #tpu.memory_space<vmem>>, vector<2000x128xf32>
    %get3A_26 = arith.constant 0 : index
    %get3A_27 = arith.constant 0 : index
    %get3A_28 = vector.load %arg4[%get3A_26, %get3A_27] : memref<128x128xf32, #tpu.memory_space<vmem>>, vector<128x128xf32>
    %dot_general3A = arith.constant dense<0.000000e+00> : vector<2000x128xf32>
    %dot_general3A_29 = tpu.matmul %get3A_25, %get3A_28, %dot_general3A {dimension_numbers = #tpu.dot_dimension_numbers<[1], [0], [0], [1], [0, 0, 1, 1], [], []>, transpose_lhs_hint = false} : vector<2000x128xf32>, vector<128x128xf32>, vector<2000x128xf32> -> vector<2000x128xf32>
    %get3A_30 = arith.constant 0 : index
    %get3A_31 = arith.constant 0 : index
    %get3A_32 = vector.load %arg5[%get3A_30, %get3A_31] : memref<128x128xf32, #tpu.memory_space<vmem>>, vector<128x128xf32>
    %dot_general3A_33 = arith.constant dense<0.000000e+00> : vector<2000x128xf32>
    %dot_general3A_34 = tpu.matmul %div3A_22, %get3A_32, %dot_general3A_33 {dimension_numbers = #tpu.dot_dimension_numbers<[1], [0], [0], [1], [0, 0, 1, 1], [], []>, transpose_lhs_hint = false} : vector<2000x128xf32>, vector<128x128xf32>, vector<2000x128xf32> -> vector<2000x128xf32>
    %add3A_35 = arith.addf %dot_general3A_29, %dot_general3A_34 : vector<2000x128xf32>
    %get3A_36 = arith.constant 0 : index
    %get3A_37 = arith.constant 0 : index
    %get3A_38 = vector.load %arg6[%get3A_36, %get3A_37] : memref<1x128xf32, #tpu.memory_space<vmem>>, vector<1x128xf32>
    %add3A_39 = vector.broadcast %get3A_38 : vector<1x128xf32> to vector<2000x128xf32>
    %add3A_40 = arith.addf %add3A_35, %add3A_39 : vector<2000x128xf32>
    %mul3A = arith.mulf %add3A_40, %add3A_40 : vector<2000x128xf32>
    %reduce_sum3A = arith.constant dense<0.000000e+00> : vector<2000xf32>
    %reduce_sum3A_41 = vector.multi_reduction <add>, %mul3A, %reduce_sum3A [1] : vector<2000x128xf32> to vector<2000xf32>
    %broadcast_in_dim3A = vector.shape_cast %reduce_sum3A_41 : vector<2000xf32> to vector<2000x1xf32>
    %sqrt3A = math.sqrt %broadcast_in_dim3A : vector<2000x1xf32>
    %add3A_42 = arith.constant 9.99999993E-9 : f32
    %add3A_43 = vector.broadcast %add3A_42 : f32 to vector<2000x1xf32>
    %add3A_44 = arith.addf %sqrt3A, %add3A_43 : vector<2000x1xf32>
    %div3A_45 = vector.broadcast %add3A_44 : vector<2000x1xf32> to vector<2000x128xf32>
    %div3A_46 = arith.divf %add3A_40, %div3A_45 : vector<2000x128xf32>
    %swap3A = arith.constant 0 : index
    %swap3A_47 = arith.constant 0 : index
    %swap3A_48 = vector.load %arg7[%swap3A, %swap3A_47] : memref<2000x128xf32, #tpu.memory_space<vmem>>, vector<2000x128xf32>
    tpu.vector_store %arg7[%swap3A, %swap3A_47], %div3A_46 {strides = array<i32>} : memref<2000x128xf32, #tpu.memory_space<vmem>>, vector<2000x128xf32>,
    return
  }
  func.func @transform_0(%arg0: i32) -> (i32, i32) {
    %c0_i32 = arith.constant 0 : i32
    %c0_i32_0 = arith.constant 0 : i32
    return %arg0, %c0_i32 : i32, i32
  }
  func.func @transform_1(%arg0: i32) -> (i32, i32, i32) {
    %c0_i32 = arith.constant 0 : i32
    %c0_i32_0 = arith.constant 0 : i32
    %c0_i32_1 = arith.constant 0 : i32
    return %c0_i32, %arg0, %c0_i32_0 : i32, i32, i32
  }
  func.func @transform_2(%arg0: i32) -> (i32, i32, i32) {
    %c0_i32 = arith.constant 0 : i32
    %c0_i32_0 = arith.constant 0 : i32
    %c0_i32_1 = arith.constant 0 : i32
    return %c0_i32, %arg0, %c0_i32_0 : i32, i32, i32
  }
  func.func @transform_3(%arg0: i32) -> (i32, i32) {
    %c0_i32 = arith.constant 0 : i32
    %c0_i32_0 = arith.constant 0 : i32
    %c0_i32_1 = arith.constant 0 : i32
    return %c0_i32, %c0_i32_0 : i32, i32
  }
  func.func @transform_4(%arg0: i32) -> (i32, i32) {
    %c0_i32 = arith.constant 0 : i32
    %c0_i32_0 = arith.constant 0 : i32
    %c0_i32_1 = arith.constant 0 : i32
    return %c0_i32, %c0_i32_0 : i32, i32
  }
  func.func @transform_5(%arg0: i32) -> (i32, i32) {
    %c0_i32 = arith.constant 0 : i32
    %c0_i32_0 = arith.constant 0 : i32
    %c0_i32_1 = arith.constant 0 : i32
    return %c0_i32, %c0_i32_0 : i32, i32
  }
  func.func @transform_6(%arg0: i32) -> (i32, i32) {
    %c0_i32 = arith.constant 0 : i32
    %c0_i32_0 = arith.constant 0 : i32
    return %arg0, %c0_i32 : i32, i32
  }
}

</mosaic_0001>

<sc_bundles>
// kernel: kernel.6.cloned.1.call-start
scs
__scs_entry_jumppad:
0x0: {  	(pc) =	sbr.rel $0x88, $3  }
0x1: {  	(tag) =	ssettag $0x0;
	lr =	simm.s32 $0x1  }
0x2: {  	[smem:$0x3F99] =	sst lr;
	_ =	strace $0xD0000000  }
0x3: {  	_ = 	snop  }
0x4: {  	_ = 	snop  }
0x5: {  	_ = 	snop  }
0x6: {  	_ = 	snop  }
0x7: {  	_ = 	snop  }
__scs_overlays_trampoline_lowered:
0x8: {  	[smem:$0x3FA8] =	sst s0  }
0x9: {  	[smem:$0x3FA9] =	sst s1  }
0xa: {  	[smem:$0x3FAA] =	sst s2  }
0xb: {  	[smem:$0x3FAB] =	sst s3  }
0xc: {  	[smem:$0x3FAC] =	sst s4  }
0xd: {  	[smem:$0x3FAD] =	sst s5  }
0xe: {  	[smem:$0x3FAE] =	sst s6  }
0xf: {  	[smem:$0x3FAF] =	sst s7  }
0x10: {  	[smem:$0x3FB0] =	sst s8  }
0x11: {  	[smem:$0x3FB1] =	sst s9;
	s0 =	simm.s32 @!p0 $0x0  }
0x12: {  	s1 =	sld [smem:$0x3F97];
	s0 =	simm.s32 @p0 $0x1  }
0x13: {  	[smem:$0x3FB2] =	sst s0;
	s0 =	simm.s32 @!p1 $0x0  }
0x14: {  	s2 =	sld [smem:$0x3F96];
	s0 =	simm.s32 @p1 $0x1  }
0x15: {  	[smem:$0x3FB3] =	sst s0;
	s0 =	simm.s32 @!p2 $0x0  }
0x16: {  	s3 =	sld [smem:$0x3FDB];
	s0 =	simm.s32 @p2 $0x1  }
0x17: {  	s4 =	simm.s32 $0x1BF5;
	[smem:$0x3FB5] =	sst s0  }
0x18: {  	s0 =	sld [smem:$0x3F98];
	_ =	swait.ge [sflag:s4], $0x0  }
0x19: {  	s7 =	sld [smem:$0x3F99]  }
0x1a: {  	s8 =	sadd.s32 $0xFFFFE003, lr  }
0x1b: {  	s9 =	sadd.s32 $0xFFFFFEF7, lr;
	s5 =	simm.s32 $0xFFFFFFFF;
	p2 =	slt.u32 s8, $0xFFFFF086  }
0x1c: {  	p1 =	slt.u32 s9, $0xF7A;
	s5 =	simm.s32 @!p2 $0x0  }
0x1d: {  	s5 =	simm.s32 @p1 $0x1;
	p0 =	seq.s32 s7, s2  }
0x1e: {  	s7 =	smul.u32 @!p0 $0xF7A, s2;
	p2 =	seq.s32 @!p0 s5, $0x0  }
0x1f: {  	s9 =	smul.u32 $0xF7A, s1;
	s8 =	simm.s32 @!p0 $0x1BF5;
	p2 =	por !p2, p0  }
0x20: {  	[sflag:s8] =	ssyncset.s32 @!p0 $0xFFFFF086;
	s6 =	sadd.s32 @!p0 s3, s7;
	s7 =	simm.s32 @!p0 $0x108  }
0x21: {  	s3 =	sadd.s32 s3, s9;
	s6 =	sadd.s32 @!p0 $0x88, s6;
	s7 =	simm.s32 @p2 $0x1082  }
0x22: {  	[simem:s7], [sflag:s8] =	dma.local @!p0 [hbm:s6], $0xF7A  }
0x23: {  	s9 =	sor.u32 $0xD0000000, s2;
	s6 =	simm.s32 $0x108;
	_ =	swait.ge @!p0 [sflag:s8], $0x0  }
0x24: {  	s3 =	sadd.s32 $0x88, s3;
	s6 =	simm.s32 @!p1 $0x1082;
	[sflag:s4] =	ssyncset.s32 $0xFFFFF086  }
0x25: {  	[simem:s6], [sflag:s4] =	dma.local [hbm:s3], $0xF7A  }
0x26: {  	[smem:$0x3F99] =	sst s1;
	(tag) =	ssettag s2;
	_ =	strace s9  }
0x27: {  	s1 =	sld [smem:$0x3FA9]  }
0x28: {  	s2 =	sld [smem:$0x3FAA]  }
0x29: {  	s4 =	sld [smem:$0x3FAC]  }
0x2a: {  	p0 =	seq.s32 s5, $0x0;
	s5 =	sld [smem:$0x3FAD]  }
0x2b: {  	s6 =	sld [smem:$0x3FAE]  }
0x2c: {  	s7 =	sld [smem:$0x3FAF]  }
0x2d: {  	s3 =	simm.s32 $0x108;
	s8 =	sld [smem:$0x3FB0]  }
0x2e: {  	s3 =	simm.s32 @!p0 $0x1082;
	s9 =	sld [smem:$0x3FB1]  }
0x2f: {  	lr =	sadd.s32 s0, s3;
	s0 =	sld [smem:$0x3FA8]  }
0x30: {  	s3 =	sld [smem:$0x3FAB]  }
0x31: {  	[smem:$0x3FB4] =	sst s10  }
0x32: {  	s10 =	sld [smem:$0x3FB2];
	_ =	sdelay $0x3  }
0x33: {  	p0 =	seq.s32 s10, $0x1;
	s10 =	sld [smem:$0x3FB4];
	_ =	sdelay $0x3  }
0x34: {  	[smem:$0x3FB4] =	sst s10  }
0x35: {  	s10 =	sld [smem:$0x3FB3];
	_ =	sdelay $0x3  }
0x36: {  	p1 =	seq.s32 s10, $0x1;
	s10 =	sld [smem:$0x3FB4];
	_ =	sdelay $0x3  }
0x37: {  	[smem:$0x3FB4] =	sst s10  }
0x38: {  	s10 =	sld [smem:$0x3FB5]  }
0x39: {  	_ = 	snop;
	(pc) =	sbr.ind lr, $3  }
0x3a: {  	_ = 	snop  }
0x3b: {  	_ = 	snop  }
0x3c: {  	p2 =	seq.s32 s10, $0x1;
	s10 =	sld [smem:$0x3FB4]  }
0x3d: {  	_ =	shalt  }
0x3e: {  	_ =	shalt  }
0x3f: {  	_ =	shalt  }
0x40: {  	_ =	shalt  }
0x41: {  	_ =	shalt  }
0x42: {  	_ =	shalt  }
0x43: {  	_ =	shalt  }
0x44: {  	_ =	shalt  }
0x45: {  	_ =	shalt  }
0x46: {  	_ =	shalt  }
0x47: {  	_ =	shalt  }
0x48: {  	_ =	shalt  }
0x49: {  	_ =	shalt  }
0x4a: {  	_ =	shalt  }
0x4b: {  	_ =	shalt  }
0x4c: {  	_ =	shalt  }
0x4d: {  	_ =	shalt  }
0x4e: {  	_ =	shalt  }
0x4f: {  	_ =	shalt  }
0x50: {  	_ =	shalt  }
0x51: {  	_ =	shalt  }
0x52: {  	_ =	shalt  }
0x53: {  	_ =	shalt  }
0x54: {  	_ =	shalt  }
0x55: {  	_ =	shalt  }
0x56: {  	_ =	shalt  }
0x57: {  	_ =	shalt  }
0x58: {  	_ =	shalt  }
0x59: {  	_ =	shalt  }
0x5a: {  	_ =	shalt  }
0x5b: {  	_ =	shalt  }
0x5c: {  	_ =	shalt  }
0x5d: {  	_ =	shalt  }
0x5e: {  	_ =	shalt  }
0x5f: {  	_ =	shalt  }
0x60: {  	_ =	shalt  }
0x61: {  	_ =	shalt  }
0x62: {  	_ =	shalt  }
0x63: {  	_ =	shalt  }
0x64: {  	_ =	shalt  }
0x65: {  	_ =	shalt  }
0x66: {  	_ =	shalt  }
0x67: {  	_ =	shalt  }
0x68: {  	_ =	shalt  }
0x69: {  	_ =	shalt  }
0x6a: {  	_ =	shalt  }
0x6b: {  	_ =	shalt  }
0x6c: {  	_ =	shalt  }
0x6d: {  	_ =	shalt  }
0x6e: {  	_ =	shalt  }
0x6f: {  	_ =	shalt  }
0x70: {  	_ =	shalt  }
0x71: {  	_ =	shalt  }
0x72: {  	_ =	shalt  }
0x73: {  	_ =	shalt  }
0x74: {  	_ =	shalt  }
0x75: {  	_ =	shalt  }
0x76: {  	_ =	shalt  }
0x77: {  	_ =	shalt  }
0x78: {  	_ =	shalt  }
0x79: {  	_ =	shalt  }
0x7a: {  	_ =	shalt  }
0x7b: {  	_ =	shalt  }
0x7c: {  	_ =	shalt  }
0x7d: {  	_ =	shalt  }
0x7e: {  	_ =	shalt  }
0x7f: {  	_ =	shalt  }
0x80: {  	_ =	shalt  }
0x81: {  	_ =	shalt  }
0x82: {  	_ =	shalt  }
0x83: {  	_ =	shalt  }
0x84: {  	_ =	shalt  }
0x85: {  	_ =	shalt  }
0x86: {  	_ =	shalt  }
0x87: {  	_ =	shalt  }
.Lfunc_end0:
.L_simem_size_0:
called_computation_lowered:
.L_overlay_start_0:
0x88: {  	s2 =	sld [smem:$0x3FD9]  }
0x89: {  	s3 =	sld [smem:$0x3FFE];
	_ =	sdelay $0x1  }
0x8a: {  	s1 =	srdreg.scid  }
0x8b: {  	s0 =	sand.u32 $0x1, s1  }
0x8c: {  	s17 =	sshll.u32 s0, $0xA;
	s2 =	sadd.s32 s3, s2  }
0x8d: {  	s2 =	sadd.s32 s2, s17  }
0x8e: {  	[smem:$0x3FC0] =	sst s2  }
0x8f: {  	_ = 	snop  }
0x90: {  	s2 =	sld [smem:$0x3FC9]  }
0x91: {  	s18 =	sld [smem:$0x3FD0];
	(tm) =	ssettm $0x1  }
0x92: {  	s4 =	sld [smem:$0x3FFB];
	_ =	sdelay $0x3  }
0x93: {  	_ =	strace s4  }
0x94: {  	s4 =	sld [smem:$0x3FFC];
	_ =	sdelay $0x3  }
0x95: {  	_ =	strace s4  }
0x96: {  	s4 =	sld [smem:$0x3FFD];
	_ =	sdelay $0x3  }
0x97: {  	_ =	strace s4  }
0x98: {  	_ =	strace $0x8FFFFFFF  }
0x99: {  	s19 =	sld [smem:$0x3FDB];
	_ =	sdelay $0x1  }
0x9a: {  	s5 =	simm.s32 $_scs_section_size  }
0x9b: {  	s6 =	simm.s32 $_size__tile_overlayer_lowered;
	s7 =	simm.s32 $_tile_overlayer_lowered  }
0x9c: {  	s22 =	simm.s32 $0x1BFF;
	s21 =	sshll.u32 s7, $0x1;
	s4 =	sadd.s32 s5, s19  }
0x9d: {  	s8 =	simm.s32 $0x0;
	s20 =	sshll.u32 s6, $0x1;
	s6 =	sadd.s32 s21, s4  }
0x9e: {  	[timem:s8], [sflag:s22] =	dma.local [hbm:s6], s20  }
0x9f: {  	_ =	swait.ge [sflag:s22], s20  }
0xa0: {  	s5 =	ssub.s32 $0x0, s20;
	[sflag:s22] =	ssyncset.done $0x0  }
0xa1: {  	[sflag:s22] =	ssyncadd.s32 s5;
	_ =	sdelay $0x1  }
0xa2: {  	s23 =	simm.s32 $0x1B8B  }
0xa3: {  	_ =	swait.ge [sflag:s23], $0x1  }
0xa4: {  	[sflag:s23] =	ssyncset.done $0x0  }
0xa5: {  	s25 =	simm.s32 $0x1B8E;
	s24 =	sld [smem:$0x3FFE];
	[sflag:s23] =	ssyncadd.s32 $0xFFFFFFFF  }
0xa6: {  	s26 =	simm.s32 $execute0_lowered;
	[smem:$0x3FD2] =	sst s25  }
0xa7: {  	s6 =	sshll.u32 s26, $0x1;
	_ =	strace $0x80000046;
	[dreg:$0x1] =	wrdreg $0xFFFFFFFF  }
0xa8: {  	s28 =	simm.s32 $_size_execute0_lowered;
	s4 =	sadd.s32 s4, s6;
	[dreg:$0x0] =	wrdreg $0x0  }
0xa9: {  	s6 =	sshll.u32 s28, $0x1;
	[dreg:$0x2] =	wrdreg s4  }
0xaa: {  	[dreg:$0x3] =	wrdreg s6  }
0xab: {  	[dreg:$0x4] =	wrdreg $0xC0  }
0xac: {  	_ =	task [dreg:s8], $0x5FFFF  }
0xad: {  	[dreg:$0x1] =	wrdreg $0xFFFFFFFF  }
0xae: {  	[dreg:$0x0] =	wrdreg $0x60  }
0xaf: {  	[dreg:$0x2] =	wrdreg s2  }
0xb0: {  	[dreg:$0x3] =	wrdreg s24  }
0xb1: {  	[dreg:$0x4] =	wrdreg s18  }
0xb2: {  	[dreg:$0x5] =	wrdreg $0x93000  }
0xb3: {  	[dreg:$0x6] =	wrdreg $0x1D3000  }
0xb4: {  	[dreg:$0x7] =	wrdreg $0x9  }
0xb5: {  	_ =	task.clear_ibuf [dreg:s8], $0x8FFFF;
	_ =	strace $0x90000046  }
0xb6: {  	s29 =	simm.s32 $0x9;
	_ =	strace $0x80000048  }
0xb7: {  	_ =	swait.ge [sflag:s29], $0x1  }
0xb8: {  	[sflag:s29] =	ssyncadd.s32 $0xFFFFFFFF  }
0xb9: {  	_ =	strace $0x90000048  }
0xba: {  	_ =	sfence  }
0xbb: {  	s30 =	sld [smem:$0x0];
	_ =	sdelay $0x2  }
0xbc: {  	s31 =	sshll.u32 s1, $0xD;
	s1 =	sshrl.u32 s1, $0x2  }
0xbd: {  	s3 =	sand.u32 $0x4000, s31;
	s1 =	sadd.s32 s1, s30  }
0xbe: {  	s0 =	sor.u32 s3, s0;
	s1 =	sshll.u32 s1, $0x11  }
0xbf: {  	s0 =	sor.u32 s1, s0  }
0xc0: {  	s0 =	sadd.s32 $0x8F2B, s0  }
0xc1: {  	[sflag:s0] =	ssyncadd.remote.s32 $0x1  }
0xc2: {  	_ =	sfence.sel $0xFFFF  }
0xc3: {  	[dreg:$0x0] =	wrdreg $0xFFFFFFFF;
	(pc) =	sbr.abs _section_cstart, $3  }
0xc4: {  	[dreg:$0x1] =	wrdreg $0xFFFFFFFF  }
0xc5: {  	_ =	task.clear_ibuf [dreg:s8], $0x2FFFF;
	_ =	strace $0x9FFFFFFF  }
0xc6: {  	(tm) =	ssettm $0x7FFFFFFF  }
0xc7: {  	_ =	shalt  }
tec
execute0_lowered:
.L_overlay_start_1:
0x0: {  	(tag) =	ssettag $0x1  }
0x1: {  	s1 =	rddreg [dreg:$0x0]  }
0x2: {  	s6 =	rddreg [dreg:$0x1]  }
0x3: {  	s16 =	rddreg [dreg:$0x2]  }
0x4: {  	s0 =	srdreg.scid;
	s3 =	rddreg [dreg:$0x3]  }
0x5: {  	s4 =	rddreg [dreg:$0x4];
	s5 =	simm.s32 $0x0;
	s19 =	simm.s32 $0x1  }
0x6: {  	s20 =	simm.s32 $0x9080;
	s21 =	simm.s32 $0x2800;
	s11 =	sand.u32 $0x1, s0  }
0x7: {  	s22 =	simm.s32 $0x7D;
	s0 =	stileid.u32;
	s8 =	smul.u32 $0x140000, s11  }
0x8: {  	s23 =	simm.s32 $0x9000;
	s24 =	simm.s32 $0x20;
	s9 =	smul.u32 $0x14000, s0  }
0x9: {  	s25 =	simm.s32 $0x10;
	s26 =	simm.s32 $0x0;
	s10 =	smul.u32 $0x50000, s0  }
0xa: {  	[smem:$0x7FF] =	sst s5;
	s2 =	sshll.u32 s11, $0x4;
	s12 =	smul.u32 $0xA00, s0  }
0xb: {  	s29 =	ssub.s32 $0x2, s11;
	s13 =	smul.u32 $0x500, s0;
	s2 =	sor.u32 s0, s2  }
0xc: {  	s18 =	sshll.u32 s11, $0x7;
	s31 =	sshrl.u32 s29, $0x1;
	s7 =	smul.u32 $0x500, s2  }
0xd: {  	s2 =	rddreg [dreg:$0x5];
	_ =	strace $0x80000047;
	s28 =	sadd.s32 s9, s8  }
0xe: {  	s30 =	sshrl.u32 s10, $0x2;
	s12 =	sshrl.u32 s12, $0x2;
	s18 =	sor.u32 s18, s13  }
0xf: {  	s17 =	ssub.s32 s29, s31;
	s12 =	sadd.s32 s12, s4;
	s18 =	sshrl.u32 s18, $0x3  }
0x10: {  	s17 =	smax.u32 s17, $0x1;
	s14 =	sadd.s32 s7, s6;
	s7 =	sshrl.u32 s28, $0x3  }
0x11: {  	s16 =	sadd.s32 s16, s18;
	s18 =	simm.s32 $0x5000;
	s15 =	sadd.s32 s7, s6  }
0x12: {  	s6 =	sadd.s32 s30, s3;
	s13 =	sadd.s32 $0xC000, s14;
	s14 =	sadd.s32 $0x2000, s14  }
0x13: {  	s7 =	sadd.s32 $0x3E80, s6;
	s8 =	sadd.s32 $0x7D00, s6;
	s9 =	sadd.s32 $0xBB80, s6  }
0x14: {  	v0 =	vimm.f32 $0.0e+00;
	v1 =	vimm.f32 $1.000000000e+00;
	s10 =	sadd.s32 $0xFA00, s6;
	s11 =	sadd.s32 $0x13880, s6;
	s15 =	sadd.s32 $0x16000, s15  }
.LBB2_1:
0x15: {  	s28 =	sand.u32 $0xFE00, s5  }
0x16: {  	s29 =	sand.u32 $0x70, s5;
	s30 =	sshrl.u32 s28, $0x2  }
0x17: {  	s28 =	simm.s32 $0x40;
	s30 =	sor.u32 s29, s30;
	s29 =	simm.s32 $0x0  }
.LBB2_2:
0x18: {  	p0 =	sne.s32 s28, $0xF9C0  }
0x19: {  	[tilespmem:s30+$0x5000] =	vst v0;
	s29 =	sadd.s32 $0x10, s29;
	s30 =	smov.u32 s28;
	s28 =	sadd.s32 $0x40, s28  }
.Ltmp0:
0x1a: {  	(pc) =	sbr.rel @p0 .LBB2_2-.Ltmp0, $4  }
0x1b: {  	_ = 	snop  }
0x1c: {  	s30 =	sand.u32 $0xFE00, s30  }
0x1d: {  	s31 =	sand.u32 $0x70, s29;
	s30 =	sshrl.u32 s30, $0x2  }
0x1e: {  	s30 =	sor.u32 s31, s30  }
0x1f: {  	[tilespmem:s30+$0x5000] =	vst v0  }
0x20: {  	[tilespmem:$0x9000] =	vst v1  }
0x21: {  	[tilespmem:$0x9010] =	vst v1  }
0x22: {  	[tilespmem:$0x9020] =	vst v1  }
0x23: {  	[tilespmem:$0x9030] =	vst v1  }
0x24: {  	[tilespmem:$0x9040] =	vst v1  }
0x25: {  	[tilespmem:$0x9050] =	vst v1  }
0x26: {  	[tilespmem:$0x9060] =	vst v1  }
0x27: {  	[tilespmem:$0x9070] =	vst v1  }
0x28: {  	[tilespmem:$0x9080] =	vst v0  }
0x29: {  	[tilespmem:$0x9090] =	vst v0  }
0x2a: {  	[tilespmem:$0x90A0] =	vst v0  }
0x2b: {  	[tilespmem:$0x90B0] =	vst v0  }
0x2c: {  	[tilespmem:$0x90C0] =	vst v0  }
0x2d: {  	[tilespmem:$0x90D0] =	vst v0  }
0x2e: {  	[tilespmem:$0x90E0] =	vst v0  }
0x2f: {  	[tilespmem:$0x90F0] =	vst v0  }
0x30: {  	[tilespmem:$0x9100] =	vst v0  }
0x31: {  	[tilespmem:$0x9110] =	vst v0  }
0x32: {  	[tilespmem:$0x9120] =	vst v0  }
0x33: {  	[tilespmem:$0x9130] =	vst v0  }
0x34: {  	[tilespmem:$0x9140] =	vst v0  }
0x35: {  	[tilespmem:$0x9150] =	vst v0  }
0x36: {  	[tilespmem:$0x9160] =	vst v0  }
0x37: {  	[tilespmem:$0x9170] =	vst v0  }
0x38: {  	[tilespmem:$0x9180] =	vst v0  }
0x39: {  	[tilespmem:$0x9190] =	vst v0  }
0x3a: {  	[tilespmem:$0x91A0] =	vst v0  }
0x3b: {  	[tilespmem:$0x91B0] =	vst v0  }
0x3c: {  	[tilespmem:$0x91C0] =	vst v0  }
0x3d: {  	[tilespmem:$0x91D0] =	vst v0  }
0x3e: {  	[tilespmem:$0x91E0] =	vst v0  }
0x3f: {  	[tilespmem:$0x91F0] =	vst v0  }
0x40: {  	[tilespmem:$0x9200] =	vst v0  }
0x41: {  	[tilespmem:$0x9210] =	vst v0  }
0x42: {  	[tilespmem:$0x9220] =	vst v0  }
0x43: {  	[tilespmem:$0x9230] =	vst v0  }
0x44: {  	[tilespmem:$0x9240] =	vst v0  }
0x45: {  	[tilespmem:$0x9250] =	vst v0  }
0x46: {  	[tilespmem:$0x9260] =	vst v0  }
0x47: {  	[tilespmem:$0x9270] =	vst v0  }
0x48: {  	[tilespmem:$0x9280] =	vst v0  }
0x49: {  	[tilespmem:$0x9290] =	vst v0  }
0x4a: {  	[tilespmem:$0x92A0] =	vst v0  }
0x4b: {  	[tilespmem:$0x92B0] =	vst v0  }
0x4c: {  	[tilespmem:$0x92C0] =	vst v0  }
0x4d: {  	[tilespmem:$0x92D0] =	vst v0  }
0x4e: {  	[tilespmem:$0x92E0] =	vst v0  }
0x4f: {  	[tilespmem:$0x92F0] =	vst v0  }
0x50: {  	[spmem:s6] =	stream.linear.scatter [tilespmem:s18], [sflag:$0x1], $0x3E80, $0x38;
	[tilespmem:$0x1D580] =	vst v63  }
0x51: {  	_ =	swait.ge [sflag:s19], $0x3E80  }
0x52: {  	[sflag:s19] =	ssyncset.done $0x0  }
0x53: {  	[sflag:s19] =	ssyncadd.s32 $0xFFFFC180  }
0x54: {  	[spmem:s7] =	stream.linear.scatter [tilespmem:s18], [sflag:$0x1], $0x3E80, $0x38;
	[tilespmem:$0x1D580] =	vst v63  }
0x55: {  	_ =	swait.ge [sflag:s19], $0x3E80  }
0x56: {  	[sflag:s19] =	ssyncset.done $0x0  }
0x57: {  	[sflag:s19] =	ssyncadd.s32 $0xFFFFC180  }
0x58: {  	[spmem:s8] =	stream.linear.scatter [tilespmem:s18], [sflag:$0x1], $0x3E80, $0x38;
	[tilespmem:$0x1D580] =	vst v63  }
0x59: {  	_ =	swait.ge [sflag:s19], $0x3E80  }
0x5a: {  	[sflag:s19] =	ssyncset.done $0x0  }
0x5b: {  	[sflag:s19] =	ssyncadd.s32 $0xFFFFC180  }
0x5c: {  	[spmem:s9] =	stream.linear.scatter [tilespmem:s18], [sflag:$0x1], $0x3E80, $0x38;
	[tilespmem:$0x1D580] =	vst v63  }
0x5d: {  	_ =	swait.ge [sflag:s19], $0x3E80  }
0x5e: {  	[sflag:s19] =	ssyncset.done $0x0  }
0x5f: {  	[sflag:s19] =	ssyncadd.s32 $0xFFFFC180  }
0x60: {  	[spmem:s10] =	stream.linear.scatter [tilespmem:s18], [sflag:$0x1], $0x3E80, $0x38;
	[tilespmem:$0x1D580] =	vst v63  }
0x61: {  	_ =	swait.ge [sflag:s19], $0x3E80  }
0x62: {  	[sflag:s19] =	ssyncset.done $0x0  }
0x63: {  	[sflag:s19] =	ssyncadd.s32 $0xFFFFC180  }
0x64: {  	[spmem:s11] =	stream.linear.scatter [tilespmem:s18], [sflag:$0x1], $0x780, $0x38;
	[tilespmem:$0x1D580] =	vst v63  }
0x65: {  	_ =	swait.ge [sflag:s19], $0x780  }
0x66: {  	[sflag:s19] =	ssyncset.done $0x0  }
0x67: {  	[sflag:s19] =	ssyncadd.s32 $0xFFFFF880  }
0x68: {  	[spmem:s12] =	stream.linear.scatter [tilespmem:s20], [sflag:$0x1], $0x280, $0x38;
	[tilespmem:$0x1D580] =	vst v63  }
0x69: {  	_ =	swait.ge [sflag:s19], $0x280  }
0x6a: {  	[sflag:s19] =	ssyncset.done $0x0  }
0x6b: {  	[sflag:s19] =	ssyncadd.s32 $0xFFFFFD80  }
0x6c: {  	s28 =	simm.s32 $0x0;
	[bflag:$0x0] =	sbarrier.arrive $0xFFFF  }
0x6d: {  	[tilespmem:s28], [sflag:$0x1] =	stream.linear.gather [hbm4b:s13+s28], $0x2800, $0x38;
	[tilespmem:$0x1D580] =	vst v63  }
0x6e: {  	_ =	swait.ge [sflag:s19], $0x2800  }
0x6f: {  	[sflag:s19] =	ssyncset.done $0x0  }
0x70: {  	[sflag:s19] =	ssyncadd.s32 $0xFFFFD800  }
0x71: {  	[tilespmem:s21], [sflag:$0x1] =	stream.linear.gather [hbm4b:s14+s28], $0x2800, $0x38;
	[tilespmem:$0x1D580] =	vst v63  }
0x72: {  	_ =	swait.ge [sflag:s19], $0x2800  }
0x73: {  	[sflag:s19] =	ssyncset.done $0x0  }
0x74: {  	s28 =	simm.s32 $0x0;
	[sflag:s19] =	ssyncadd.s32 $0xFFFFD800  }
0x75: {  	[tilespmem:s18], [sflag:$0x1] =	stream.indirect.gather [hbm4b:s1+s22], $0x80, s28, s22, $0xb8;
	[tilespmem:$0x1D580] =	vst v63  }
0x76: {  	_ =	swait.ge [sflag:s19], $0x3E80  }
0x77: {  	[sflag:s19] =	ssyncset.done $0x0  }
0x78: {  	s28 =	simm.s32 $0x2800;
	[sflag:s19] =	ssyncadd.s32 $0xFFFFC180  }
0x79: {  	[spmem:s3] =	stream.indirect.scatter.add.f32 [tilespmem:s18], [sflag:$0x1], $0x80, s28, s22, $0xb8;
	[tilespmem:$0x1D580] =	vst v63  }
0x7a: {  	_ =	swait.ge [sflag:s19], $0x3E80  }
0x7b: {  	[sflag:s19] =	ssyncset.done $0x0  }
0x7c: {  	[sflag:s19] =	ssyncadd.s32 $0xFFFFC180  }
0x7d: {  	[spmem:s4] =	stream.indirect.scatter.add.f32 [tilespmem:s23], [sflag:$0x1], $0x1, s28, s22, $0xb8;
	[tilespmem:$0x1D580] =	vst v63  }
0x7e: {  	_ =	swait.ge [sflag:s19], $0x7D  }
0x7f: {  	s29 =	simm.s32 $0x400;
	s28 =	simm.s32 $0x200;
	[sflag:s19] =	ssyncset.done $0x0  }
.LBB2_4:
0x80: {  	s30 =	sshra.s32 s28, $0x2  }
0x81: {  	[sflag:s19] =	ssyncadd.s32 $0xFFFFFF83;
	s28 =	smov.u32 s29;
	s31 =	sadd.s32 $0x200, s29  }
0x82: {  	[tilespmem:s18], [sflag:$0x1] =	stream.indirect.gather [hbm4b:s1+s22], $0x80, s30, s22, $0xb8;
	[tilespmem:$0x1D580] =	vst v63  }
0x83: {  	p0 =	sne.s32 s29, $0x9E00;
	_ =	swait.ge [sflag:s19], $0x3E80  }
0x84: {  	[sflag:s19] =	ssyncset.done $0x0  }
0x85: {  	s29 =	sadd.s32 $0x2800, s30;
	[sflag:s19] =	ssyncadd.s32 $0xFFFFC180  }
0x86: {  	[spmem:s3] =	stream.indirect.scatter.add.f32 [tilespmem:s18], [sflag:$0x1], $0x80, s29, s22, $0xb8;
	[tilespmem:$0x1D580] =	vst v63  }
0x87: {  	_ =	swait.ge [sflag:s19], $0x3E80  }
.Ltmp1:
0x88: {  	[sflag:s19] =	ssyncset.done $0x0;
	(pc) =	sbr.rel @p0 .LBB2_4-.Ltmp1, $4  }
0x89: {  	[sflag:s19] =	ssyncadd.s32 $0xFFFFC180  }
0x8a: {  	[spmem:s4] =	stream.indirect.scatter.add.f32 [tilespmem:s23], [sflag:$0x1], $0x1, s29, s22, $0xb8;
	[tilespmem:$0x1D580] =	vst v63  }
0x8b: {  	_ =	swait.ge [sflag:s19], $0x7D  }
0x8c: {  	s29 =	smov.u32 s31;
	[sflag:s19] =	ssyncset.done $0x0  }
0x8d: {  	s28 =	sshra.s32 s28, $0x2;
	[sflag:s19] =	ssyncadd.s32 $0xFFFFFF83  }
0x8e: {  	[tilespmem:s18], [sflag:$0x1] =	stream.indirect.gather [hbm4b:s1+s22], $0x80, s28, s22, $0xb8;
	[tilespmem:$0x1D580] =	vst v63  }
0x8f: {  	_ =	swait.ge [sflag:s19], $0x3E80  }
0x90: {  	[sflag:s19] =	ssyncset.done $0x0  }
0x91: {  	s28 =	sadd.s32 $0x2800, s28;
	[sflag:s19] =	ssyncadd.s32 $0xFFFFC180  }
0x92: {  	[spmem:s3] =	stream.indirect.scatter.add.f32 [tilespmem:s18], [sflag:$0x1], $0x80, s28, s22, $0xb8;
	[tilespmem:$0x1D580] =	vst v63  }
0x93: {  	_ =	swait.ge [sflag:s19], $0x3E80  }
0x94: {  	[sflag:s19] =	ssyncset.done $0x0  }
0x95: {  	[sflag:s19] =	ssyncadd.s32 $0xFFFFC180  }
0x96: {  	[spmem:s4] =	stream.indirect.scatter.add.f32 [tilespmem:s23], [sflag:$0x1], $0x1, s28, s22, $0xb8;
	[tilespmem:$0x1D580] =	vst v63  }
0x97: {  	_ =	swait.ge [sflag:s19], $0x7D  }
0x98: {  	[sflag:s19] =	ssyncset.done $0x0  }
0x99: {  	s30 =	sshll.u32 s0, $0x6;
	[sflag:s19] =	ssyncadd.s32 $0xFFFFFF83  }
0x9a: {  	s29 =	sshrl.u32 s6, $0x3;
	s28 =	sor.u32 $0x1C01, s30;
	[bflag:$0x0] =	sbarrier.arrive $0xFFFF  }
0x9b: {  	[hbm:s15], [sflag:s28] =	dma.local [spmem:s29], $0x2800  }
0x9c: {  	s26 =	sadd.s32 $0x1, s26;
	_ =	swait.ge [sflag:s19], $0x2800  }
0x9d: {  	p0 =	sne.s32 s26, s17;
	[sflag:s19] =	ssyncset.done $0x0  }
.Ltmp2:
0x9e: {  	s31 =	sshrl.u32 s12, $0x3;
	[sflag:s19] =	ssyncadd.s32 $0xFFFFD800;
	(pc) =	sbr.rel @p0 .LBB2_1-.Ltmp2, $4  }
0x9f: {  	[hbm:s16@s24], [sflag:s28] =	dma.strided [spmem:s31@s25], $0x50, s19, $0x10   }
0xa0: {  	_ =	swait.ge [sflag:s19], $0x50  }
0xa1: {  	[sflag:s19] =	ssyncset.done $0x0  }
0xa2: {  	[sflag:s19] =	ssyncadd.s32 $0xFFFFFFB0  }
0xa3: {  	_ =	sfence.sel $0x180000  }
0xa4: {  	[bflag:$0x0] =	sbarrier.arrive $0xFFFF  }
0xa5: {  	p0 =	sne.s32 s0, $0x0;
	_ =	strace $0x90000047  }
0xa6: {  	s0 =	sadd.s32 @!p0 $0x100000, s2;
	[bflag:$0x2] =	sbarrier.arrive $0xFFFF  }
0xa7: {  	[sflag:s0] =	ssyncadd.tile.s32 @!p0 $0x1;
	_ =	shalt  }
.Lfunc_end2:
_tile_overlayer_lowered:
.L_overlay_start_2:
0xa8: {  	(tag) =	ssettag $0x2  }
0xa9: {  	s0 =	rddreg [dreg:$0x0];
	s2 =	stileid.u32  }
0xaa: {  	s1 =	rddreg [dreg:$0x1];
	p0 =	sne.s32 s2, $0x0  }
0xab: {  	s3 =	rddreg [dreg:$0x2];
	[bflag:$0x3] =	sbarrier.arrive $0xFFFF;
	s2 =	simm.s32 @!p0 $0x1C01  }
0xac: {  	[timem:s3], [sflag:s2] =	dma.local @!p0 [hbm:s0], s1  }
0xad: {  	s0 =	simm.s32 @!p0 $0x1  }
0xae: {  	_ =	swait.ge @!p0 [sflag:s0], s1  }
0xaf: {  	s1 =	ssub.s32 @!p0 $0x0, s1;
	[sflag:s0] =	ssyncset.done @!p0 $0x0  }
0xb0: {  	[sflag:s0] =	ssyncadd.s32 @!p0 s1  }
0xb1: {  	[bflag:$0x3] =	sbarrier.arrive $0xFFFF  }
0xb2: {  	_ =	shalt  }

// kernel: kernel.9.cloned.1.call-start
scs
__scs_entry_jumppad:
0x0: {  	(pc) =	sbr.rel $0x88, $3  }
0x1: {  	(tag) =	ssettag $0x0;
	lr =	simm.s32 $0x1  }
0x2: {  	[smem:$0x3F99] =	sst lr;
	_ =	strace $0xD0000000  }
0x3: {  	_ = 	snop  }
0x4: {  	_ = 	snop  }
0x5: {  	_ = 	snop  }
0x6: {  	_ = 	snop  }
0x7: {  	_ = 	snop  }
__scs_overlays_trampoline_lowered:
0x8: {  	[smem:$0x3FA8] =	sst s0  }
0x9: {  	[smem:$0x3FA9] =	sst s1  }
0xa: {  	[smem:$0x3FAA] =	sst s2  }
0xb: {  	[smem:$0x3FAB] =	sst s3  }
0xc: {  	[smem:$0x3FAC] =	sst s4  }
0xd: {  	[smem:$0x3FAD] =	sst s5  }
0xe: {  	[smem:$0x3FAE] =	sst s6  }
0xf: {  	[smem:$0x3FAF] =	sst s7  }
0x10: {  	[smem:$0x3FB0] =	sst s8  }
0x11: {  	[smem:$0x3FB1] =	sst s9;
	s0 =	simm.s32 @!p0 $0x0  }
0x12: {  	s1 =	sld [smem:$0x3F97];
	s0 =	simm.s32 @p0 $0x1  }
0x13: {  	[smem:$0x3FB2] =	sst s0;
	s0 =	simm.s32 @!p1 $0x0  }
0x14: {  	s2 =	sld [smem:$0x3F96];
	s0 =	simm.s32 @p1 $0x1  }
0x15: {  	[smem:$0x3FB3] =	sst s0;
	s0 =	simm.s32 @!p2 $0x0  }
0x16: {  	s3 =	sld [smem:$0x3FDB];
	s0 =	simm.s32 @p2 $0x1  }
0x17: {  	s4 =	simm.s32 $0x1BF5;
	[smem:$0x3FB5] =	sst s0  }
0x18: {  	s0 =	sld [smem:$0x3F98];
	_ =	swait.ge [sflag:s4], $0x0  }
0x19: {  	s7 =	sld [smem:$0x3F99]  }
0x1a: {  	s8 =	sadd.s32 $0xFFFFE003, lr  }
0x1b: {  	s9 =	sadd.s32 $0xFFFFFEF7, lr;
	s5 =	simm.s32 $0xFFFFFFFF;
	p2 =	slt.u32 s8, $0xFFFFF086  }
0x1c: {  	p1 =	slt.u32 s9, $0xF7A;
	s5 =	simm.s32 @!p2 $0x0  }
0x1d: {  	s5 =	simm.s32 @p1 $0x1;
	p0 =	seq.s32 s7, s2  }
0x1e: {  	s7 =	smul.u32 @!p0 $0xF7A, s2;
	p2 =	seq.s32 @!p0 s5, $0x0  }
0x1f: {  	s9 =	smul.u32 $0xF7A, s1;
	s8 =	simm.s32 @!p0 $0x1BF5;
	p2 =	por !p2, p0  }
0x20: {  	[sflag:s8] =	ssyncset.s32 @!p0 $0xFFFFF086;
	s6 =	sadd.s32 @!p0 s3, s7;
	s7 =	simm.s32 @!p0 $0x108  }
0x21: {  	s3 =	sadd.s32 s3, s9;
	s6 =	sadd.s32 @!p0 $0x88, s6;
	s7 =	simm.s32 @p2 $0x1082  }
0x22: {  	[simem:s7], [sflag:s8] =	dma.local @!p0 [hbm:s6], $0xF7A  }
0x23: {  	s9 =	sor.u32 $0xD0000000, s2;
	s6 =	simm.s32 $0x108;
	_ =	swait.ge @!p0 [sflag:s8], $0x0  }
0x24: {  	s3 =	sadd.s32 $0x88, s3;
	s6 =	simm.s32 @!p1 $0x1082;
	[sflag:s4] =	ssyncset.s32 $0xFFFFF086  }
0x25: {  	[simem:s6], [sflag:s4] =	dma.local [hbm:s3], $0xF7A  }
0x26: {  	[smem:$0x3F99] =	sst s1;
	(tag) =	ssettag s2;
	_ =	strace s9  }
0x27: {  	s1 =	sld [smem:$0x3FA9]  }
0x28: {  	s2 =	sld [smem:$0x3FAA]  }
0x29: {  	s4 =	sld [smem:$0x3FAC]  }
0x2a: {  	p0 =	seq.s32 s5, $0x0;
	s5 =	sld [smem:$0x3FAD]  }
0x2b: {  	s6 =	sld [smem:$0x3FAE]  }
0x2c: {  	s7 =	sld [smem:$0x3FAF]  }
0x2d: {  	s3 =	simm.s32 $0x108;
	s8 =	sld [smem:$0x3FB0]  }
0x2e: {  	s3 =	simm.s32 @!p0 $0x1082;
	s9 =	sld [smem:$0x3FB1]  }
0x2f: {  	lr =	sadd.s32 s0, s3;
	s0 =	sld [smem:$0x3FA8]  }
0x30: {  	s3 =	sld [smem:$0x3FAB]  }
0x31: {  	[smem:$0x3FB4] =	sst s10  }
0x32: {  	s10 =	sld [smem:$0x3FB2];
	_ =	sdelay $0x3  }
0x33: {  	p0 =	seq.s32 s10, $0x1;
	s10 =	sld [smem:$0x3FB4];
	_ =	sdelay $0x3  }
0x34: {  	[smem:$0x3FB4] =	sst s10  }
0x35: {  	s10 =	sld [smem:$0x3FB3];
	_ =	sdelay $0x3  }
0x36: {  	p1 =	seq.s32 s10, $0x1;
	s10 =	sld [smem:$0x3FB4];
	_ =	sdelay $0x3  }
0x37: {  	[smem:$0x3FB4] =	sst s10  }
0x38: {  	s10 =	sld [smem:$0x3FB5]  }
0x39: {  	_ = 	snop;
	(pc) =	sbr.ind lr, $3  }
0x3a: {  	_ = 	snop  }
0x3b: {  	_ = 	snop  }
0x3c: {  	p2 =	seq.s32 s10, $0x1;
	s10 =	sld [smem:$0x3FB4]  }
0x3d: {  	_ =	shalt  }
0x3e: {  	_ =	shalt  }
0x3f: {  	_ =	shalt  }
0x40: {  	_ =	shalt  }
0x41: {  	_ =	shalt  }
0x42: {  	_ =	shalt  }
0x43: {  	_ =	shalt  }
0x44: {  	_ =	shalt  }
0x45: {  	_ =	shalt  }
0x46: {  	_ =	shalt  }
0x47: {  	_ =	shalt  }
0x48: {  	_ =	shalt  }
0x49: {  	_ =	shalt  }
0x4a: {  	_ =	shalt  }
0x4b: {  	_ =	shalt  }
0x4c: {  	_ =	shalt  }
0x4d: {  	_ =	shalt  }
0x4e: {  	_ =	shalt  }
0x4f: {  	_ =	shalt  }
0x50: {  	_ =	shalt  }
0x51: {  	_ =	shalt  }
0x52: {  	_ =	shalt  }
0x53: {  	_ =	shalt  }
0x54: {  	_ =	shalt  }
0x55: {  	_ =	shalt  }
0x56: {  	_ =	shalt  }
0x57: {  	_ =	shalt  }
0x58: {  	_ =	shalt  }
0x59: {  	_ =	shalt  }
0x5a: {  	_ =	shalt  }
0x5b: {  	_ =	shalt  }
0x5c: {  	_ =	shalt  }
0x5d: {  	_ =	shalt  }
0x5e: {  	_ =	shalt  }
0x5f: {  	_ =	shalt  }
0x60: {  	_ =	shalt  }
0x61: {  	_ =	shalt  }
0x62: {  	_ =	shalt  }
0x63: {  	_ =	shalt  }
0x64: {  	_ =	shalt  }
0x65: {  	_ =	shalt  }
0x66: {  	_ =	shalt  }
0x67: {  	_ =	shalt  }
0x68: {  	_ =	shalt  }
0x69: {  	_ =	shalt  }
0x6a: {  	_ =	shalt  }
0x6b: {  	_ =	shalt  }
0x6c: {  	_ =	shalt  }
0x6d: {  	_ =	shalt  }
0x6e: {  	_ =	shalt  }
0x6f: {  	_ =	shalt  }
0x70: {  	_ =	shalt  }
0x71: {  	_ =	shalt  }
0x72: {  	_ =	shalt  }
0x73: {  	_ =	shalt  }
0x74: {  	_ =	shalt  }
0x75: {  	_ =	shalt  }
0x76: {  	_ =	shalt  }
0x77: {  	_ =	shalt  }
0x78: {  	_ =	shalt  }
0x79: {  	_ =	shalt  }
0x7a: {  	_ =	shalt  }
0x7b: {  	_ =	shalt  }
0x7c: {  	_ =	shalt  }
0x7d: {  	_ =	shalt  }
0x7e: {  	_ =	shalt  }
0x7f: {  	_ =	shalt  }
0x80: {  	_ =	shalt  }
0x81: {  	_ =	shalt  }
0x82: {  	_ =	shalt  }
0x83: {  	_ =	shalt  }
0x84: {  	_ =	shalt  }
0x85: {  	_ =	shalt  }
0x86: {  	_ =	shalt  }
0x87: {  	_ =	shalt  }
.Lfunc_end0:
.L_simem_size_0:
called_computation.1_lowered:
.L_overlay_start_0:
0x88: {  	s2 =	sld [smem:$0x3FD9]  }
0x89: {  	s3 =	sld [smem:$0x3FFE];
	_ =	sdelay $0x1  }
0x8a: {  	s1 =	srdreg.scid  }
0x8b: {  	s0 =	sand.u32 $0x1, s1  }
0x8c: {  	s17 =	sshll.u32 s0, $0xA;
	s2 =	sadd.s32 s3, s2  }
0x8d: {  	s2 =	sadd.s32 s2, s17  }
0x8e: {  	[smem:$0x3FC0] =	sst s2  }
0x8f: {  	_ = 	snop  }
0x90: {  	s2 =	sld [smem:$0x3FD0];
	(tm) =	ssettm $0x1  }
0x91: {  	s18 =	sld [smem:$0x3FFB];
	_ =	sdelay $0x3  }
0x92: {  	_ =	strace s18  }
0x93: {  	s3 =	sld [smem:$0x3FFC];
	_ =	sdelay $0x3  }
0x94: {  	_ =	strace s3  }
0x95: {  	s3 =	sld [smem:$0x3FFD];
	_ =	sdelay $0x3  }
0x96: {  	_ =	strace s3  }
0x97: {  	_ =	strace $0x8FFFFFFF  }
0x98: {  	s19 =	sld [smem:$0x3FDB];
	_ =	sdelay $0x1  }
0x99: {  	s4 =	simm.s32 $_scs_section_size  }
0x9a: {  	s5 =	simm.s32 $_size__tile_overlayer_lowered;
	s6 =	simm.s32 $_tile_overlayer_lowered  }
0x9b: {  	s22 =	simm.s32 $0x1BFF;
	s21 =	sshll.u32 s6, $0x1;
	s3 =	sadd.s32 s4, s19  }
0x9c: {  	s7 =	simm.s32 $0x0;
	s20 =	sshll.u32 s5, $0x1;
	s5 =	sadd.s32 s21, s3  }
0x9d: {  	[timem:s7], [sflag:s22] =	dma.local [hbm:s5], s20  }
0x9e: {  	_ =	swait.ge [sflag:s22], s20  }
0x9f: {  	s4 =	ssub.s32 $0x0, s20;
	[sflag:s22] =	ssyncset.done $0x0  }
0xa0: {  	[sflag:s22] =	ssyncadd.s32 s4;
	_ =	sdelay $0x1  }
0xa1: {  	s23 =	simm.s32 $0x1B8B  }
0xa2: {  	_ =	swait.ge [sflag:s23], $0x1  }
0xa3: {  	[sflag:s23] =	ssyncset.done $0x0  }
0xa4: {  	s25 =	simm.s32 $0x1B8E;
	s24 =	sld [smem:$0x3FFE];
	[sflag:s23] =	ssyncadd.s32 $0xFFFFFFFF  }
0xa5: {  	s26 =	simm.s32 $execute0_lowered;
	[smem:$0x3FD2] =	sst s25  }
0xa6: {  	s5 =	sshll.u32 s26, $0x1;
	_ =	strace $0x80000049;
	[dreg:$0x1] =	wrdreg $0xFFFFFFFF  }
0xa7: {  	s28 =	simm.s32 $_size_execute0_lowered;
	s3 =	sadd.s32 s3, s5;
	[dreg:$0x0] =	wrdreg $0x0  }
0xa8: {  	s5 =	sshll.u32 s28, $0x1;
	[dreg:$0x2] =	wrdreg s3  }
0xa9: {  	[dreg:$0x3] =	wrdreg s5  }
0xaa: {  	[dreg:$0x4] =	wrdreg $0xC0  }
0xab: {  	_ =	task [dreg:s7], $0x5FFFF  }
0xac: {  	[dreg:$0x1] =	wrdreg $0xFFFFFFFF  }
0xad: {  	[dreg:$0x0] =	wrdreg $0x60  }
0xae: {  	[dreg:$0x2] =	wrdreg s2  }
0xaf: {  	[dreg:$0x3] =	wrdreg s24  }
0xb0: {  	[dreg:$0x4] =	wrdreg $0x90000  }
0xb1: {  	[dreg:$0x5] =	wrdreg $0x9  }
0xb2: {  	_ =	task.clear_ibuf [dreg:s7], $0x6FFFF;
	_ =	strace $0x90000049  }
0xb3: {  	s29 =	simm.s32 $0x9;
	_ =	strace $0x8000004B  }
0xb4: {  	_ =	swait.ge [sflag:s29], $0x1  }
0xb5: {  	[sflag:s29] =	ssyncadd.s32 $0xFFFFFFFF  }
0xb6: {  	_ =	strace $0x9000004B  }
0xb7: {  	_ =	sfence  }
0xb8: {  	s30 =	sld [smem:$0x0];
	_ =	sdelay $0x2  }
0xb9: {  	s31 =	sshll.u32 s1, $0xD;
	s1 =	sshrl.u32 s1, $0x2  }
0xba: {  	s3 =	sand.u32 $0x4000, s31;
	s1 =	sadd.s32 s1, s30  }
0xbb: {  	s0 =	sor.u32 s3, s0;
	s1 =	sshll.u32 s1, $0x11  }
0xbc: {  	s0 =	sor.u32 s1, s0  }
0xbd: {  	s0 =	sadd.s32 $0x8F2B, s0  }
0xbe: {  	[sflag:s0] =	ssyncadd.remote.s32 $0x1  }
0xbf: {  	_ =	sfence.sel $0xFFFF  }
0xc0: {  	[dreg:$0x0] =	wrdreg $0xFFFFFFFF;
	(pc) =	sbr.abs _section_cstart, $3  }
0xc1: {  	[dreg:$0x1] =	wrdreg $0xFFFFFFFF  }
0xc2: {  	_ =	task.clear_ibuf [dreg:s7], $0x2FFFF;
	_ =	strace $0x9FFFFFFF  }
0xc3: {  	(tm) =	ssettm $0x7FFFFFFF  }
tec
execute0_lowered:
.L_overlay_start_1:
0x0: {  	(tag) =	ssettag $0x1  }
0x1: {  	s2 =	rddreg [dreg:$0x0]  }
0x2: {  	s0 =	srdreg.scid;
	s6 =	rddreg [dreg:$0x1]  }
0x3: {  	s3 =	rddreg [dreg:$0x2];
	s4 =	simm.s32 $0x0;
	s15 =	simm.s32 $0x5000  }
0x4: {  	s16 =	simm.s32 $0x1;
	s17 =	simm.s32 $0x2800;
	s5 =	sand.u32 $0x1, s0  }
0x5: {  	s18 =	simm.s32 $0x7D;
	s0 =	stileid.u32;
	s8 =	smul.u32 $0x140000, s5  }
0x6: {  	s21 =	simm.s32 $0x0;
	[smem:$0x7FF] =	sst s4;
	s9 =	smul.u32 $0x14000, s0  }
0x7: {  	s1 =	sshll.u32 s5, $0x4;
	s10 =	smul.u32 $0x50000, s0;
	s29 =	ssub.s32 $0x2, s5  }
0x8: {  	s19 =	sshll.u32 s0, $0x6;
	s1 =	sor.u32 s0, s1;
	s31 =	sshrl.u32 s29, $0x1  }
0x9: {  	s19 =	sor.u32 $0x1C01, s19;
	s7 =	smul.u32 $0x500, s1;
	s1 =	rddreg [dreg:$0x3]  }
0xa: {  	_ =	strace $0x8000004A;
	s30 =	sshrl.u32 s10, $0x2;
	s14 =	ssub.s32 s29, s31  }
0xb: {  	s28 =	sadd.s32 s9, s8;
	s5 =	sadd.s32 s30, s3;
	s14 =	smax.u32 s14, $0x1  }
0xc: {  	s12 =	sadd.s32 s7, s6;
	s7 =	sshrl.u32 s28, $0x3;
	s8 =	sadd.s32 $0xBB80, s5  }
0xd: {  	s9 =	sadd.s32 $0xFA00, s5;
	s10 =	sadd.s32 $0x13880, s5;
	s20 =	sshrl.u32 s5, $0x3  }
0xe: {  	s13 =	sadd.s32 s7, s6;
	s6 =	sadd.s32 $0x3E80, s5;
	s7 =	sadd.s32 $0x7D00, s5  }
0xf: {  	v0 =	vimm.f32 $0.0e+00;
	s11 =	sadd.s32 $0xC000, s12;
	s12 =	sadd.s32 $0x2000, s12;
	s13 =	sadd.s32 $0x16000, s13  }
.LBB2_1:
0x10: {  	s22 =	sand.u32 $0xFE00, s4  }
0x11: {  	s23 =	sand.u32 $0x70, s4;
	s24 =	sshrl.u32 s22, $0x2  }
0x12: {  	s22 =	simm.s32 $0x40;
	s24 =	sor.u32 s23, s24;
	s23 =	simm.s32 $0x0  }
.LBB2_2:
0x13: {  	p0 =	sne.s32 s22, $0xF9C0  }
0x14: {  	[tilespmem:s24+$0x5000] =	vst v0;
	s23 =	sadd.s32 $0x10, s23;
	s24 =	smov.u32 s22;
	s22 =	sadd.s32 $0x40, s22  }
.Ltmp0:
0x15: {  	(pc) =	sbr.rel @p0 .LBB2_2-.Ltmp0, $4  }
0x16: {  	_ = 	snop  }
0x17: {  	s24 =	sand.u32 $0xFE00, s24  }
0x18: {  	s25 =	sand.u32 $0x70, s23;
	s24 =	sshrl.u32 s24, $0x2  }
0x19: {  	s24 =	sor.u32 s25, s24  }
0x1a: {  	[tilespmem:s24+$0x5000] =	vst v0  }
0x1b: {  	[spmem:s5] =	stream.linear.scatter [tilespmem:s15], [sflag:$0x1], $0x3E80, $0x38;
	[tilespmem:$0x1D000] =	vst v63  }
0x1c: {  	_ =	swait.ge [sflag:s16], $0x3E80  }
0x1d: {  	[sflag:s16] =	ssyncset.done $0x0  }
0x1e: {  	[sflag:s16] =	ssyncadd.s32 $0xFFFFC180  }
0x1f: {  	[spmem:s6] =	stream.linear.scatter [tilespmem:s15], [sflag:$0x1], $0x3E80, $0x38;
	[tilespmem:$0x1D000] =	vst v63  }
0x20: {  	_ =	swait.ge [sflag:s16], $0x3E80  }
0x21: {  	[sflag:s16] =	ssyncset.done $0x0  }
0x22: {  	[sflag:s16] =	ssyncadd.s32 $0xFFFFC180  }
0x23: {  	[spmem:s7] =	stream.linear.scatter [tilespmem:s15], [sflag:$0x1], $0x3E80, $0x38;
	[tilespmem:$0x1D000] =	vst v63  }
0x24: {  	_ =	swait.ge [sflag:s16], $0x3E80  }
0x25: {  	[sflag:s16] =	ssyncset.done $0x0  }
0x26: {  	[sflag:s16] =	ssyncadd.s32 $0xFFFFC180  }
0x27: {  	[spmem:s8] =	stream.linear.scatter [tilespmem:s15], [sflag:$0x1], $0x3E80, $0x38;
	[tilespmem:$0x1D000] =	vst v63  }
0x28: {  	_ =	swait.ge [sflag:s16], $0x3E80  }
0x29: {  	[sflag:s16] =	ssyncset.done $0x0  }
0x2a: {  	[sflag:s16] =	ssyncadd.s32 $0xFFFFC180  }
0x2b: {  	[spmem:s9] =	stream.linear.scatter [tilespmem:s15], [sflag:$0x1], $0x3E80, $0x38;
	[tilespmem:$0x1D000] =	vst v63  }
0x2c: {  	_ =	swait.ge [sflag:s16], $0x3E80  }
0x2d: {  	[sflag:s16] =	ssyncset.done $0x0  }
0x2e: {  	[sflag:s16] =	ssyncadd.s32 $0xFFFFC180  }
0x2f: {  	[spmem:s10] =	stream.linear.scatter [tilespmem:s15], [sflag:$0x1], $0x780, $0x38;
	[tilespmem:$0x1D000] =	vst v63  }
0x30: {  	_ =	swait.ge [sflag:s16], $0x780  }
0x31: {  	[sflag:s16] =	ssyncset.done $0x0  }
0x32: {  	[sflag:s16] =	ssyncadd.s32 $0xFFFFF880  }
0x33: {  	s22 =	simm.s32 $0x0;
	[bflag:$0x0] =	sbarrier.arrive $0xFFFF  }
0x34: {  	[tilespmem:s22], [sflag:$0x1] =	stream.linear.gather [hbm4b:s11+s22], $0x2800, $0x38;
	[tilespmem:$0x1D000] =	vst v63  }
0x35: {  	_ =	swait.ge [sflag:s16], $0x2800  }
0x36: {  	[sflag:s16] =	ssyncset.done $0x0  }
0x37: {  	[sflag:s16] =	ssyncadd.s32 $0xFFFFD800  }
0x38: {  	[tilespmem:s17], [sflag:$0x1] =	stream.linear.gather [hbm4b:s12+s22], $0x2800, $0x38;
	[tilespmem:$0x1D000] =	vst v63  }
0x39: {  	_ =	swait.ge [sflag:s16], $0x2800  }
0x3a: {  	[sflag:s16] =	ssyncset.done $0x0  }
0x3b: {  	s30 =	simm.s32 $0x0;
	[sflag:s16] =	ssyncadd.s32 $0xFFFFD800  }
0x3c: {  	[tilespmem:s15], [sflag:$0x1] =	stream.indirect.gather [hbm4b:s2+s18], $0x80, s30, s18, $0xb8;
	[tilespmem:$0x1D000] =	vst v63  }
0x3d: {  	_ =	swait.ge [sflag:s16], $0x3E80  }
0x3e: {  	[sflag:s16] =	ssyncset.done $0x0  }
0x3f: {  	s31 =	simm.s32 $0x2800;
	[sflag:s16] =	ssyncadd.s32 $0xFFFFC180  }
0x40: {  	[spmem:s3] =	stream.indirect.scatter.add.f32 [tilespmem:s15], [sflag:$0x1], $0x80, s31, s18, $0xb8;
	[tilespmem:$0x1D000] =	vst v63  }
0x41: {  	_ =	swait.ge [sflag:s16], $0x3E80  }
0x42: {  	s23 =	simm.s32 $0x400;
	s22 =	simm.s32 $0x200;
	[sflag:s16] =	ssyncset.done $0x0  }
.LBB2_4:
0x43: {  	s24 =	sshra.s32 s22, $0x2  }
0x44: {  	[sflag:s16] =	ssyncadd.s32 $0xFFFFC180;
	s22 =	smov.u32 s23;
	s25 =	sadd.s32 $0x200, s23  }
0x45: {  	[tilespmem:s15], [sflag:$0x1] =	stream.indirect.gather [hbm4b:s2+s18], $0x80, s24, s18, $0xb8;
	[tilespmem:$0x1D000] =	vst v63  }
0x46: {  	p0 =	sne.s32 s23, $0x9E00;
	_ =	swait.ge [sflag:s16], $0x3E80  }
.Ltmp1:
0x47: {  	[sflag:s16] =	ssyncset.done $0x0;
	(pc) =	sbr.rel @p0 .LBB2_4-.Ltmp1, $4  }
0x48: {  	s23 =	sadd.s32 $0x2800, s24;
	[sflag:s16] =	ssyncadd.s32 $0xFFFFC180  }
0x49: {  	[spmem:s3] =	stream.indirect.scatter.add.f32 [tilespmem:s15], [sflag:$0x1], $0x80, s23, s18, $0xb8;
	[tilespmem:$0x1D000] =	vst v63  }
0x4a: {  	_ =	swait.ge [sflag:s16], $0x3E80  }
0x4b: {  	s23 =	smov.u32 s25;
	[sflag:s16] =	ssyncset.done $0x0  }
0x4c: {  	s22 =	sshra.s32 s22, $0x2;
	[sflag:s16] =	ssyncadd.s32 $0xFFFFC180  }
0x4d: {  	[tilespmem:s15], [sflag:$0x1] =	stream.indirect.gather [hbm4b:s2+s18], $0x80, s22, s18, $0xb8;
	[tilespmem:$0x1D000] =	vst v63  }
0x4e: {  	_ =	swait.ge [sflag:s16], $0x3E80  }
0x4f: {  	[sflag:s16] =	ssyncset.done $0x0  }
0x50: {  	s22 =	sadd.s32 $0x2800, s22;
	[sflag:s16] =	ssyncadd.s32 $0xFFFFC180  }
0x51: {  	[spmem:s3] =	stream.indirect.scatter.add.f32 [tilespmem:s15], [sflag:$0x1], $0x80, s22, s18, $0xb8;
	[tilespmem:$0x1D000] =	vst v63  }
0x52: {  	_ =	swait.ge [sflag:s16], $0x3E80  }
0x53: {  	s21 =	sadd.s32 $0x1, s21;
	[sflag:s16] =	ssyncset.done $0x0  }
0x54: {  	p0 =	sne.s32 s21, s14;
	[sflag:s16] =	ssyncadd.s32 $0xFFFFC180  }
.Ltmp2:
0x55: {  	[bflag:$0x0] =	sbarrier.arrive $0xFFFF;
	(pc) =	sbr.rel @p0 .LBB2_1-.Ltmp2, $4  }
0x56: {  	[hbm:s13], [sflag:s19] =	dma.local [spmem:s20], $0x2800  }
0x57: {  	_ =	swait.ge [sflag:s16], $0x2800  }
0x58: {  	[sflag:s16] =	ssyncset.done $0x0  }
0x59: {  	[sflag:s16] =	ssyncadd.s32 $0xFFFFD800  }
0x5a: {  	_ =	sfence.sel $0x180000  }
0x5b: {  	[bflag:$0x0] =	sbarrier.arrive $0xFFFF  }
0x5c: {  	p0 =	sne.s32 s0, $0x0;
	_ =	strace $0x9000004A  }
0x5d: {  	s0 =	sadd.s32 @!p0 $0x100000, s1;
	[bflag:$0x2] =	sbarrier.arrive $0xFFFF  }
0x5e: {  	[sflag:s0] =	ssyncadd.tile.s32 @!p0 $0x1;
	_ =	shalt  }
.Lfunc_end2:
_tile_overlayer_lowered:
.L_overlay_start_2:
0x5f: {  	(tag) =	ssettag $0x2  }
0x60: {  	s0 =	rddreg [dreg:$0x0];
	s2 =	stileid.u32  }
0x61: {  	s1 =	rddreg [dreg:$0x1];
	p0 =	sne.s32 s2, $0x0  }
0x62: {  	s3 =	rddreg [dreg:$0x2];
	[bflag:$0x3] =	sbarrier.arrive $0xFFFF;
	s2 =	simm.s32 @!p0 $0x1C01  }
0x63: {  	[timem:s3], [sflag:s2] =	dma.local @!p0 [hbm:s0], s1  }
0x64: {  	s0 =	simm.s32 @!p0 $0x1  }
0x65: {  	_ =	swait.ge @!p0 [sflag:s0], s1  }
0x66: {  	s1 =	ssub.s32 @!p0 $0x0, s1;
	[sflag:s0] =	ssyncset.done @!p0 $0x0  }
0x67: {  	[sflag:s0] =	ssyncadd.s32 @!p0 s1  }
0x68: {  	[bflag:$0x3] =	sbarrier.arrive $0xFFFF  }
0x69: {  	_ =	shalt  }

</sc_bundles>
